<compile_context>
chip_gen: v7x
topology: tpu7x:2x2x1
jax: 0.10.2.dev20260603
libtpu: 0.0.44.dev20260713+nightly
codegen_flags: <defaults>
</compile_context>

<pallas_src>
import functools

import jax
import jax.numpy as jnp
from jax import lax
from jax.experimental import pallas as pl
from jax.experimental.pallas import tpu as pltpu
from jax.experimental.pallas import tpu_sc as plsc

_VOCAB = 1000000
_D = 64
_B = 1024
_S = 200
_NC = 2
_NS = 16
_NW = _NC * _NS
_ROWS_PER_W = _B // _NW
_CHUNKS = ((0, 104), (104, 96))
_LANES = 16
_G = 4
_NSTEP = _ROWS_PER_W // _G
_NBUF = 2


def _emb_body(text_hbm, table_hbm, pos_hbm, out_hbm,
              idx_all, rows_buf, pos_v, gsem0, gsem1, ssem0, ssem1):
    wid = lax.axis_index("s") * _NC + lax.axis_index("c")
    row0 = wid * _ROWS_PER_W
    gsem = (gsem0, gsem1)
    ssem = (ssem0, ssem1)

    pltpu.sync_copy(text_hbm.at[pl.ds(row0, _ROWS_PER_W)], idx_all)
    pltpu.sync_copy(pos_hbm, pos_v)

    def issue_gathers(step, buf):
        for j in range(_G):
            for off, n in _CHUNKS:
                pltpu.async_copy(
                    table_hbm.at[idx_all.at[step * _G + j, pl.ds(off, n)]],
                    rows_buf.at[buf, j, pl.ds(off, n)],
                    gsem[buf],
                )

    def wait_gathers(buf):
        for j in range(_G):
            pltpu.make_async_copy(
                table_hbm.at[pl.ds(0, _S)], rows_buf.at[buf, j], gsem[buf]
            ).wait()

    def issue_store(step, buf):
        pltpu.async_copy(
            rows_buf.at[buf],
            out_hbm.at[pl.ds(row0 + step * _G, _G)],
            ssem[buf],
        )

    def wait_store(buf):
        pltpu.make_async_copy(
            rows_buf.at[buf], out_hbm.at[pl.ds(0, _G)], ssem[buf]
        ).wait()

    def add_pos(buf):
        @plsc.parallel_loop(0, _S, unroll=2)
        def body_r(r):
            for q in range(_D // _LANES):
                cols = pl.ds(q * _LANES, _LANES)
                p = pos_v[r, cols]
                for j in range(_G):
                    sl = (buf, j, r, cols)
                    rows_buf[sl] = rows_buf[sl] + p

    def slot(b, step):
        nb = 1 - b

        @pl.when(step + 1 < _NSTEP)
        def _():
            @pl.when(step >= 1)
            def _():
                wait_store(nb)

            issue_gathers(step + 1, nb)

        wait_gathers(b)
        add_pos(b)
        issue_store(step, b)

    issue_gathers(0, 0)

    def body(gi, carry):
        slot(0, gi * _NBUF)
        slot(1, gi * _NBUF + 1)
        return carry

    lax.fori_loop(0, _NSTEP // _NBUF, body, 0)
    wait_store(0)
    wait_store(1)


@jax.jit
def _emb(text2, table, pos):
    mesh = plsc.VectorSubcoreMesh(core_axis_name="c", subcore_axis_name="s")
    f = functools.partial(
        pl.kernel,
        mesh=mesh,
        out_type=jax.ShapeDtypeStruct((_B, _S, _D), jnp.float32),
        scratch_types=[
            pltpu.VMEM((_ROWS_PER_W, _S), jnp.int32),
            pltpu.VMEM((_NBUF, _G, _S, _D), jnp.float32),
            pltpu.VMEM((_S, _D), jnp.float32),
            pltpu.SemaphoreType.DMA,
            pltpu.SemaphoreType.DMA,
            pltpu.SemaphoreType.DMA,
            pltpu.SemaphoreType.DMA,
        ],
        compiler_params=pltpu.CompilerParams(
            use_tc_tiling_on_sc=False, skip_device_barrier=True
        ),
    )(_emb_body)
    return f(text2, table, pos)


def kernel(text, token_table, pos_embedding):
    return _emb(text, token_table, pos_embedding)

# --- scband reference (transcript-rebuilt; emitter-appended) ---
"""Pipeline reference for scband-text-embeddings-35175782154962 (READ-ONLY COPY).

The authoritative reference and input builder live on the scoring server;
editing this copy changes nothing except your own understanding.
"""

import jax, jax.numpy as jnp
import numpy as np

VOCAB = 1000000
EMBED_DIM = 64
BATCH = 1024
SEQ_LEN = 200


def setup_inputs(seed: int = 0) -> dict:
    key = jax.random.key(seed)
    k1, k2, k3 = jax.random.split(key, 3)
    text = jax.random.randint(k1, (BATCH, SEQ_LEN), 0, VOCAB)
    token_table = jax.random.normal(k2, (VOCAB, EMBED_DIM), dtype=jnp.float32) * 0.02
    pos_embedding = jax.random.normal(k3, (SEQ_LEN, EMBED_DIM), dtype=jnp.float32) * 0.01
    return {"text": text, "token_table": token_table, "pos_embedding": pos_embedding}


def reference(text, token_table, pos_embedding):
    # x = self.token_embedding(text).type(self.dtype)
    x = jnp.take(token_table, text, axis=0).astype(jnp.float32)
    # x = x + self.positional_embedding.type(self.dtype)[:x.shape[1], :]
    x = x + pos_embedding.astype(jnp.float32)[: x.shape[1], :]
    return x

if __name__ == "__main__":
    import jax
    _d = setup_inputs()
    print(jax.jit(kernel)(*tuple(_d.values())))

</pallas_src>

<mosaic_0001>
#map = affine_map<(d0, d1) -> (0, 0)>
#map1 = affine_map<(d0, d1) -> (0, 0, 0)>
module attributes {stable_mosaic.version = 14 : i64} {
  func.func @_emb_body(%arg0: i32, %arg1: i32, %arg2: memref<1024x200xi32, #tpu.memory_space<hbm>>, %arg3: memref<1000000x64xf32, #tpu.memory_space<hbm>>, %arg4: memref<200x64xf32, #tpu.memory_space<hbm>>, %arg5: memref<1024x200x64xf32, #tpu.memory_space<hbm>>, %arg6: memref<32x200xi32, #tpu.memory_space<vmem>>, %arg7: memref<2x4x200x64xf32, #tpu.memory_space<vmem>>, %arg8: memref<200x64xf32, #tpu.memory_space<vmem>>, %arg9: memref<!tpu.dma_semaphore, #tpu.memory_space<semaphore_mem>>, %arg10: memref<!tpu.dma_semaphore, #tpu.memory_space<semaphore_mem>>, %arg11: memref<!tpu.dma_semaphore, #tpu.memory_space<semaphore_mem>>, %arg12: memref<!tpu.dma_semaphore, #tpu.memory_space<semaphore_mem>>) attributes {dimension_semantics = [#tpu.dimension_semantics<core_parallel>, #tpu.dimension_semantics<subcore_parallel>], iteration_bounds = array<i64: 2, 16>, scalar_prefetch = 0 : i64, scratch_operands = 7 : i64, tpu.core_type = #tpu.core_type<sc_vector_subcore>, window_params = [{transform_indices = #map}, {transform_indices = #map}, {transform_indices = #map}, {transform_indices = #map1}]} {
    %mul3A = arith.constant 2 : i32
    %mul3A_0 = arith.muli %arg1, %mul3A : i32
    %add3A = arith.addi %mul3A_0, %arg0 : i32
    %mul3A_1 = arith.constant 32 : i32
    %mul3A_2 = arith.muli %add3A, %mul3A_1 : i32
    "tpu.region"() ({
      %run_scoped3A = tpu.sem_alloc : memref<!tpu.dma_semaphore, #tpu.memory_space<semaphore_mem>>
      %dma_start3A_148 = arith.constant 0 : i32
      %dma_start3A_149 = tpu.memref_slice %arg2[%mul3A_2, %dma_start3A_148] : memref<1024x200xi32, #tpu.memory_space<hbm>> -> memref<32x200xi32, #tpu.memory_space<hbm>>
      %dma_start3A_150 = arith.constant 0 : i32
      %dma_start3A_151 = tpu.memref_slice %arg2[%mul3A_2, %dma_start3A_150] : memref<1024x200xi32, #tpu.memory_space<hbm>> -> memref<32x200xi32, #tpu.memory_space<hbm>>
      tpu.enqueue_dma source(%dma_start3A_151 : memref<32x200xi32, #tpu.memory_space<hbm>>) target(%arg6 : memref<32x200xi32, #tpu.memory_space<vmem>>) target_semaphore(%run_scoped3A : memref<!tpu.dma_semaphore, #tpu.memory_space<semaphore_mem>>)
      %dma_wait3A_152 = arith.constant 0 : i32
      %dma_wait3A_153 = tpu.memref_slice %arg2[%mul3A_2, %dma_wait3A_152] : memref<1024x200xi32, #tpu.memory_space<hbm>> -> memref<32x200xi32, #tpu.memory_space<hbm>>
      %dma_wait3A_154 = arith.constant 0 : i32
      %dma_wait3A_155 = tpu.memref_slice %arg2[%mul3A_2, %dma_wait3A_154] : memref<1024x200xi32, #tpu.memory_space<hbm>> -> memref<32x200xi32, #tpu.memory_space<hbm>>
      tpu.wait_dma2 semaphore(%run_scoped3A : memref<!tpu.dma_semaphore, #tpu.memory_space<semaphore_mem>>) src(%dma_wait3A_155 : memref<32x200xi32, #tpu.memory_space<hbm>>) dst(%arg6 : memref<32x200xi32, #tpu.memory_space<vmem>>)
      tpu.yield
    }) : () -> ()
    "tpu.region"() ({
      %run_scoped3A = tpu.sem_alloc : memref<!tpu.dma_semaphore, #tpu.memory_space<semaphore_mem>>
      tpu.enqueue_dma source(%arg4 : memref<200x64xf32, #tpu.memory_space<hbm>>) target(%arg8 : memref<200x64xf32, #tpu.memory_space<vmem>>) target_semaphore(%run_scoped3A : memref<!tpu.dma_semaphore, #tpu.memory_space<semaphore_mem>>)
      tpu.wait_dma2 semaphore(%run_scoped3A : memref<!tpu.dma_semaphore, #tpu.memory_space<semaphore_mem>>) src(%arg4 : memref<200x64xf32, #tpu.memory_space<hbm>>) dst(%arg8 : memref<200x64xf32, #tpu.memory_space<vmem>>)
      tpu.yield
    }) : () -> ()
    %dma_start3A = arith.constant 0 : i32
    %dma_start3A_3 = arith.constant 0 : i32
    %dma_start3A_4 = arith.constant 0 : i32
    %dma_start3A_5 = arith.constant 0 : i32
    %dma_start3A_6 = arith.constant 0 : i32
    %dma_start3A_7 = tpu.memref_slice %arg7[%dma_start3A_3, %dma_start3A_4, %dma_start3A_5, %dma_start3A_6] : memref<2x4x200x64xf32, #tpu.memory_space<vmem>> -> memref<1x1x104x64xf32, #tpu.memory_space<vmem>>
    %dma_start3A_8 = tpu.memref_squeeze %dma_start3A_7 : memref<1x1x104x64xf32, #tpu.memory_space<vmem>> -> memref<104x64xf32, #tpu.memory_space<vmem>>
    %dma_start3A_9 = arith.constant 0 : i32
    %dma_start3A_10 = tpu.memref_slice %arg6[%dma_start3A, %dma_start3A_9] : memref<32x200xi32, #tpu.memory_space<vmem>> -> memref<1x104xi32, #tpu.memory_space<vmem>>
    %dma_start3A_11 = tpu.memref_squeeze %dma_start3A_10 : memref<1x104xi32, #tpu.memory_space<vmem>> -> memref<104xi32, #tpu.memory_space<vmem>>
    %dma_start3A_12 = arith.constant 0 : i32
    %dma_start3A_13 = arith.constant 0 : i32
    %dma_start3A_14 = tpu.memref_slice %arg3[%dma_start3A_12, %dma_start3A_13] : memref<1000000x64xf32, #tpu.memory_space<hbm>> -> memref<1000000x64xf32, #tpu.memory_space<hbm>>
    tpu.enqueue_indirect_dma source(%dma_start3A_14 : memref<1000000x64xf32, #tpu.memory_space<hbm>>) target(%dma_start3A_8 : memref<104x64xf32, #tpu.memory_space<vmem>>) offsets(%dma_start3A_11 : memref<104xi32, #tpu.memory_space<vmem>>) semaphore(%arg9 : memref<!tpu.dma_semaphore, #tpu.memory_space<semaphore_mem>>)
    %dma_start3A_15 = arith.constant 0 : i32
    %dma_start3A_16 = arith.constant 0 : i32
    %dma_start3A_17 = arith.constant 0 : i32
    %dma_start3A_18 = arith.constant 104 : i32
    %dma_start3A_19 = arith.constant 0 : i32
    %dma_start3A_20 = tpu.memref_slice %arg7[%dma_start3A_16, %dma_start3A_17, %dma_start3A_18, %dma_start3A_19] : memref<2x4x200x64xf32, #tpu.memory_space<vmem>> -> memref<1x1x96x64xf32, #tpu.memory_space<vmem>>
    %dma_start3A_21 = tpu.memref_squeeze %dma_start3A_20 : memref<1x1x96x64xf32, #tpu.memory_space<vmem>> -> memref<96x64xf32, #tpu.memory_space<vmem>>
    %dma_start3A_22 = arith.constant 104 : i32
    %dma_start3A_23 = tpu.memref_slice %arg6[%dma_start3A_15, %dma_start3A_22] : memref<32x200xi32, #tpu.memory_space<vmem>> -> memref<1x96xi32, #tpu.memory_space<vmem>>
    %dma_start3A_24 = tpu.memref_squeeze %dma_start3A_23 : memref<1x96xi32, #tpu.memory_space<vmem>> -> memref<96xi32, #tpu.memory_space<vmem>>
    %dma_start3A_25 = arith.constant 0 : i32
    %dma_start3A_26 = arith.constant 0 : i32
    %dma_start3A_27 = tpu.memref_slice %arg3[%dma_start3A_25, %dma_start3A_26] : memref<1000000x64xf32, #tpu.memory_space<hbm>> -> memref<1000000x64xf32, #tpu.memory_space<hbm>>
    tpu.enqueue_indirect_dma source(%dma_start3A_27 : memref<1000000x64xf32, #tpu.memory_space<hbm>>) target(%dma_start3A_21 : memref<96x64xf32, #tpu.memory_space<vmem>>) offsets(%dma_start3A_24 : memref<96xi32, #tpu.memory_space<vmem>>) semaphore(%arg9 : memref<!tpu.dma_semaphore, #tpu.memory_space<semaphore_mem>>)
    %dma_start3A_28 = arith.constant 1 : i32
    %dma_start3A_29 = arith.constant 0 : i32
    %dma_start3A_30 = arith.constant 1 : i32
    %dma_start3A_31 = arith.constant 0 : i32
    %dma_start3A_32 = arith.constant 0 : i32
    %dma_start3A_33 = tpu.memref_slice %arg7[%dma_start3A_29, %dma_start3A_30, %dma_start3A_31, %dma_start3A_32] : memref<2x4x200x64xf32, #tpu.memory_space<vmem>> -> memref<1x1x104x64xf32, #tpu.memory_space<vmem>>
    %dma_start3A_34 = tpu.memref_squeeze %dma_start3A_33 : memref<1x1x104x64xf32, #tpu.memory_space<vmem>> -> memref<104x64xf32, #tpu.memory_space<vmem>>
    %dma_start3A_35 = arith.constant 0 : i32
    %dma_start3A_36 = tpu.memref_slice %arg6[%dma_start3A_28, %dma_start3A_35] : memref<32x200xi32, #tpu.memory_space<vmem>> -> memref<1x104xi32, #tpu.memory_space<vmem>>
    %dma_start3A_37 = tpu.memref_squeeze %dma_start3A_36 : memref<1x104xi32, #tpu.memory_space<vmem>> -> memref<104xi32, #tpu.memory_space<vmem>>
    %dma_start3A_38 = arith.constant 0 : i32
    %dma_start3A_39 = arith.constant 0 : i32
    %dma_start3A_40 = tpu.memref_slice %arg3[%dma_start3A_38, %dma_start3A_39] : memref<1000000x64xf32, #tpu.memory_space<hbm>> -> memref<1000000x64xf32, #tpu.memory_space<hbm>>
    tpu.enqueue_indirect_dma source(%dma_start3A_40 : memref<1000000x64xf32, #tpu.memory_space<hbm>>) target(%dma_start3A_34 : memref<104x64xf32, #tpu.memory_space<vmem>>) offsets(%dma_start3A_37 : memref<104xi32, #tpu.memory_space<vmem>>) semaphore(%arg9 : memref<!tpu.dma_semaphore, #tpu.memory_space<semaphore_mem>>)
    %dma_start3A_41 = arith.constant 1 : i32
    %dma_start3A_42 = arith.constant 0 : i32
    %dma_start3A_43 = arith.constant 1 : i32
    %dma_start3A_44 = arith.constant 104 : i32
    %dma_start3A_45 = arith.constant 0 : i32
    %dma_start3A_46 = tpu.memref_slice %arg7[%dma_start3A_42, %dma_start3A_43, %dma_start3A_44, %dma_start3A_45] : memref<2x4x200x64xf32, #tpu.memory_space<vmem>> -> memref<1x1x96x64xf32, #tpu.memory_space<vmem>>
    %dma_start3A_47 = tpu.memref_squeeze %dma_start3A_46 : memref<1x1x96x64xf32, #tpu.memory_space<vmem>> -> memref<96x64xf32, #tpu.memory_space<vmem>>
    %dma_start3A_48 = arith.constant 104 : i32
    %dma_start3A_49 = tpu.memref_slice %arg6[%dma_start3A_41, %dma_start3A_48] : memref<32x200xi32, #tpu.memory_space<vmem>> -> memref<1x96xi32, #tpu.memory_space<vmem>>
    %dma_start3A_50 = tpu.memref_squeeze %dma_start3A_49 : memref<1x96xi32, #tpu.memory_space<vmem>> -> memref<96xi32, #tpu.memory_space<vmem>>
    %dma_start3A_51 = arith.constant 0 : i32
    %dma_start3A_52 = arith.constant 0 : i32
    %dma_start3A_53 = tpu.memref_slice %arg3[%dma_start3A_51, %dma_start3A_52] : memref<1000000x64xf32, #tpu.memory_space<hbm>> -> memref<1000000x64xf32, #tpu.memory_space<hbm>>
    tpu.enqueue_indirect_dma source(%dma_start3A_53 : memref<1000000x64xf32, #tpu.memory_space<hbm>>) target(%dma_start3A_47 : memref<96x64xf32, #tpu.memory_space<vmem>>) offsets(%dma_start3A_50 : memref<96xi32, #tpu.memory_space<vmem>>) semaphore(%arg9 : memref<!tpu.dma_semaphore, #tpu.memory_space<semaphore_mem>>)
    %dma_start3A_54 = arith.constant 2 : i32
    %dma_start3A_55 = arith.constant 0 : i32
    %dma_start3A_56 = arith.constant 2 : i32
    %dma_start3A_57 = arith.constant 0 : i32
    %dma_start3A_58 = arith.constant 0 : i32
    %dma_start3A_59 = tpu.memref_slice %arg7[%dma_start3A_55, %dma_start3A_56, %dma_start3A_57, %dma_start3A_58] : memref<2x4x200x64xf32, #tpu.memory_space<vmem>> -> memref<1x1x104x64xf32, #tpu.memory_space<vmem>>
    %dma_start3A_60 = tpu.memref_squeeze %dma_start3A_59 : memref<1x1x104x64xf32, #tpu.memory_space<vmem>> -> memref<104x64xf32, #tpu.memory_space<vmem>>
    %dma_start3A_61 = arith.constant 0 : i32
    %dma_start3A_62 = tpu.memref_slice %arg6[%dma_start3A_54, %dma_start3A_61] : memref<32x200xi32, #tpu.memory_space<vmem>> -> memref<1x104xi32, #tpu.memory_space<vmem>>
    %dma_start3A_63 = tpu.memref_squeeze %dma_start3A_62 : memref<1x104xi32, #tpu.memory_space<vmem>> -> memref<104xi32, #tpu.memory_space<vmem>>
    %dma_start3A_64 = arith.constant 0 : i32
    %dma_start3A_65 = arith.constant 0 : i32
    %dma_start3A_66 = tpu.memref_slice %arg3[%dma_start3A_64, %dma_start3A_65] : memref<1000000x64xf32, #tpu.memory_space<hbm>> -> memref<1000000x64xf32, #tpu.memory_space<hbm>>
    tpu.enqueue_indirect_dma source(%dma_start3A_66 : memref<1000000x64xf32, #tpu.memory_space<hbm>>) target(%dma_start3A_60 : memref<104x64xf32, #tpu.memory_space<vmem>>) offsets(%dma_start3A_63 : memref<104xi32, #tpu.memory_space<vmem>>) semaphore(%arg9 : memref<!tpu.dma_semaphore, #tpu.memory_space<semaphore_mem>>)
    %dma_start3A_67 = arith.constant 2 : i32
    %dma_start3A_68 = arith.constant 0 : i32
    %dma_start3A_69 = arith.constant 2 : i32
    %dma_start3A_70 = arith.constant 104 : i32
    %dma_start3A_71 = arith.constant 0 : i32
    %dma_start3A_72 = tpu.memref_slice %arg7[%dma_start3A_68, %dma_start3A_69, %dma_start3A_70, %dma_start3A_71] : memref<2x4x200x64xf32, #tpu.memory_space<vmem>> -> memref<1x1x96x64xf32, #tpu.memory_space<vmem>>
    %dma_start3A_73 = tpu.memref_squeeze %dma_start3A_72 : memref<1x1x96x64xf32, #tpu.memory_space<vmem>> -> memref<96x64xf32, #tpu.memory_space<vmem>>
    %dma_start3A_74 = arith.constant 104 : i32
    %dma_start3A_75 = tpu.memref_slice %arg6[%dma_start3A_67, %dma_start3A_74] : memref<32x200xi32, #tpu.memory_space<vmem>> -> memref<1x96xi32, #tpu.memory_space<vmem>>
    %dma_start3A_76 = tpu.memref_squeeze %dma_start3A_75 : memref<1x96xi32, #tpu.memory_space<vmem>> -> memref<96xi32, #tpu.memory_space<vmem>>
    %dma_start3A_77 = arith.constant 0 : i32
    %dma_start3A_78 = arith.constant 0 : i32
    %dma_start3A_79 = tpu.memref_slice %arg3[%dma_start3A_77, %dma_start3A_78] : memref<1000000x64xf32, #tpu.memory_space<hbm>> -> memref<1000000x64xf32, #tpu.memory_space<hbm>>
    tpu.enqueue_indirect_dma source(%dma_start3A_79 : memref<1000000x64xf32, #tpu.memory_space<hbm>>) target(%dma_start3A_73 : memref<96x64xf32, #tpu.memory_space<vmem>>) offsets(%dma_start3A_76 : memref<96xi32, #tpu.memory_space<vmem>>) semaphore(%arg9 : memref<!tpu.dma_semaphore, #tpu.memory_space<semaphore_mem>>)
    %dma_start3A_80 = arith.constant 3 : i32
    %dma_start3A_81 = arith.constant 0 : i32
    %dma_start3A_82 = arith.constant 3 : i32
    %dma_start3A_83 = arith.constant 0 : i32
    %dma_start3A_84 = arith.constant 0 : i32
    %dma_start3A_85 = tpu.memref_slice %arg7[%dma_start3A_81, %dma_start3A_82, %dma_start3A_83, %dma_start3A_84] : memref<2x4x200x64xf32, #tpu.memory_space<vmem>> -> memref<1x1x104x64xf32, #tpu.memory_space<vmem>>
    %dma_start3A_86 = tpu.memref_squeeze %dma_start3A_85 : memref<1x1x104x64xf32, #tpu.memory_space<vmem>> -> memref<104x64xf32, #tpu.memory_space<vmem>>
    %dma_start3A_87 = arith.constant 0 : i32
    %dma_start3A_88 = tpu.memref_slice %arg6[%dma_start3A_80, %dma_start3A_87] : memref<32x200xi32, #tpu.memory_space<vmem>> -> memref<1x104xi32, #tpu.memory_space<vmem>>
    %dma_start3A_89 = tpu.memref_squeeze %dma_start3A_88 : memref<1x104xi32, #tpu.memory_space<vmem>> -> memref<104xi32, #tpu.memory_space<vmem>>
    %dma_start3A_90 = arith.constant 0 : i32
    %dma_start3A_91 = arith.constant 0 : i32
    %dma_start3A_92 = tpu.memref_slice %arg3[%dma_start3A_90, %dma_start3A_91] : memref<1000000x64xf32, #tpu.memory_space<hbm>> -> memref<1000000x64xf32, #tpu.memory_space<hbm>>
    tpu.enqueue_indirect_dma source(%dma_start3A_92 : memref<1000000x64xf32, #tpu.memory_space<hbm>>) target(%dma_start3A_86 : memref<104x64xf32, #tpu.memory_space<vmem>>) offsets(%dma_start3A_89 : memref<104xi32, #tpu.memory_space<vmem>>) semaphore(%arg9 : memref<!tpu.dma_semaphore, #tpu.memory_space<semaphore_mem>>)
    %dma_start3A_93 = arith.constant 3 : i32
    %dma_start3A_94 = arith.constant 0 : i32
    %dma_start3A_95 = arith.constant 3 : i32
    %dma_start3A_96 = arith.constant 104 : i32
    %dma_start3A_97 = arith.constant 0 : i32
    %dma_start3A_98 = tpu.memref_slice %arg7[%dma_start3A_94, %dma_start3A_95, %dma_start3A_96, %dma_start3A_97] : memref<2x4x200x64xf32, #tpu.memory_space<vmem>> -> memref<1x1x96x64xf32, #tpu.memory_space<vmem>>
    %dma_start3A_99 = tpu.memref_squeeze %dma_start3A_98 : memref<1x1x96x64xf32, #tpu.memory_space<vmem>> -> memref<96x64xf32, #tpu.memory_space<vmem>>
    %dma_start3A_100 = arith.constant 104 : i32
    %dma_start3A_101 = tpu.memref_slice %arg6[%dma_start3A_93, %dma_start3A_100] : memref<32x200xi32, #tpu.memory_space<vmem>> -> memref<1x96xi32, #tpu.memory_space<vmem>>
    %dma_start3A_102 = tpu.memref_squeeze %dma_start3A_101 : memref<1x96xi32, #tpu.memory_space<vmem>> -> memref<96xi32, #tpu.memory_space<vmem>>
    %dma_start3A_103 = arith.constant 0 : i32
    %dma_start3A_104 = arith.constant 0 : i32
    %dma_start3A_105 = tpu.memref_slice %arg3[%dma_start3A_103, %dma_start3A_104] : memref<1000000x64xf32, #tpu.memory_space<hbm>> -> memref<1000000x64xf32, #tpu.memory_space<hbm>>
    tpu.enqueue_indirect_dma source(%dma_start3A_105 : memref<1000000x64xf32, #tpu.memory_space<hbm>>) target(%dma_start3A_99 : memref<96x64xf32, #tpu.memory_space<vmem>>) offsets(%dma_start3A_102 : memref<96xi32, #tpu.memory_space<vmem>>) semaphore(%arg9 : memref<!tpu.dma_semaphore, #tpu.memory_space<semaphore_mem>>)
    %scan3A = arith.constant 0 : i32
    %scan3A_106 = arith.constant 0 : i32
    %scan3A_107 = arith.constant 4 : i32
    %scan3A_108 = arith.addi %scan3A_106, %scan3A_107 : i32
    %scan3A_109 = arith.constant 1 : i32
    scf.for %scan3A_148 = %scan3A_106 to %scan3A_108 step %scan3A_109  : i32 {
      %mul3A_149 = arith.constant 2 : i32
      %mul3A_150 = arith.muli %scan3A_148, %mul3A_149 : i32
      %add3A_151 = arith.constant 1 : i32
      %add3A_152 = arith.addi %mul3A_150, %add3A_151 : i32
      %lt3A = arith.constant 8 : i32
      %lt3A_153 = arith.cmpi slt, %add3A_152, %lt3A : i32
      %convert_element_type3A = arith.extui %lt3A_153 : i1 to i32
      %cond3A = arith.constant 0 : i32
      %cond3A_154 = arith.cmpi ne, %convert_element_type3A, %cond3A : i32
      scf.if %cond3A_154 {
        %ge3A = arith.constant 1 : i32
        %ge3A_339 = arith.cmpi sge, %mul3A_150, %ge3A : i32
        %convert_element_type3A_340 = arith.extui %ge3A_339 : i1 to i32
        %cond3A_341 = arith.constant 0 : i32
        %cond3A_342 = arith.cmpi ne, %convert_element_type3A_340, %cond3A_341 : i32
        scf.if %cond3A_342 {
          %dma_wait3A_473 = arith.constant 1 : i32
          %dma_wait3A_474 = arith.constant 0 : i32
          %dma_wait3A_475 = arith.constant 0 : i32
          %dma_wait3A_476 = arith.constant 0 : i32
          %dma_wait3A_477 = tpu.memref_slice %arg7[%dma_wait3A_473, %dma_wait3A_474, %dma_wait3A_475, %dma_wait3A_476] : memref<2x4x200x64xf32, #tpu.memory_space<vmem>> -> memref<1x4x200x64xf32, #tpu.memory_space<vmem>>
          %dma_wait3A_478 = tpu.memref_squeeze %dma_wait3A_477 : memref<1x4x200x64xf32, #tpu.memory_space<vmem>> -> memref<4x200x64xf32, #tpu.memory_space<vmem>>
          %dma_wait3A_479 = arith.constant 0 : i32
          %dma_wait3A_480 = arith.constant 0 : i32
          %dma_wait3A_481 = arith.constant 0 : i32
          %dma_wait3A_482 = tpu.memref_slice %arg5[%dma_wait3A_479, %dma_wait3A_480, %dma_wait3A_481] : memref<1024x200x64xf32, #tpu.memory_space<hbm>> -> memref<4x200x64xf32, #tpu.memory_space<hbm>>
          %dma_wait3A_483 = arith.constant 0 : i32
          %dma_wait3A_484 = arith.constant 0 : i32
          %dma_wait3A_485 = arith.constant 0 : i32
          %dma_wait3A_486 = tpu.memref_slice %arg5[%dma_wait3A_483, %dma_wait3A_484, %dma_wait3A_485] : memref<1024x200x64xf32, #tpu.memory_space<hbm>> -> memref<4x200x64xf32, #tpu.memory_space<hbm>>
          %dma_wait3A_487 = arith.constant 0 : i32
          %dma_wait3A_488 = arith.constant 0 : i32
          %dma_wait3A_489 = arith.constant 0 : i32
          %dma_wait3A_490 = tpu.memref_slice %arg7[%dma_wait3A_473, %dma_wait3A_487, %dma_wait3A_488, %dma_wait3A_489] : memref<2x4x200x64xf32, #tpu.memory_space<vmem>> -> memref<1x4x200x64xf32, #tpu.memory_space<vmem>>
          %dma_wait3A_491 = tpu.memref_squeeze %dma_wait3A_490 : memref<1x4x200x64xf32, #tpu.memory_space<vmem>> -> memref<4x200x64xf32, #tpu.memory_space<vmem>>
          tpu.wait_dma2 semaphore(%arg12 : memref<!tpu.dma_semaphore, #tpu.memory_space<semaphore_mem>>) src(%dma_wait3A_491 : memref<4x200x64xf32, #tpu.memory_space<vmem>>) dst(%dma_wait3A_486 : memref<4x200x64xf32, #tpu.memory_space<hbm>>)
        } else {
        }
        %add3A_343 = arith.constant 1 : i32
        %add3A_344 = arith.addi %mul3A_150, %add3A_343 : i32
        %mul3A_345 = arith.constant 4 : i32
        %mul3A_346 = arith.muli %add3A_344, %mul3A_345 : i32
        %add3A_347 = arith.constant 0 : i32
        %add3A_348 = arith.addi %mul3A_346, %add3A_347 : i32
        %dma_start3A_349 = arith.constant 1 : i32
        %dma_start3A_350 = arith.constant 0 : i32
        %dma_start3A_351 = arith.constant 0 : i32
        %dma_start3A_352 = arith.constant 0 : i32
        %dma_start3A_353 = tpu.memref_slice %arg7[%dma_start3A_349, %dma_start3A_350, %dma_start3A_351, %dma_start3A_352] : memref<2x4x200x64xf32, #tpu.memory_space<vmem>> -> memref<1x1x104x64xf32, #tpu.memory_space<vmem>>
        %dma_start3A_354 = tpu.memref_squeeze %dma_start3A_353 : memref<1x1x104x64xf32, #tpu.memory_space<vmem>> -> memref<104x64xf32, #tpu.memory_space<vmem>>
        %dma_start3A_355 = arith.constant 0 : i32
        %dma_start3A_356 = tpu.memref_slice %arg6[%add3A_348, %dma_start3A_355] : memref<32x200xi32, #tpu.memory_space<vmem>> -> memref<1x104xi32, #tpu.memory_space<vmem>>
        %dma_start3A_357 = tpu.memref_squeeze %dma_start3A_356 : memref<1x104xi32, #tpu.memory_space<vmem>> -> memref<104xi32, #tpu.memory_space<vmem>>
        %dma_start3A_358 = arith.constant 0 : i32
        %dma_start3A_359 = arith.constant 0 : i32
        %dma_start3A_360 = tpu.memref_slice %arg3[%dma_start3A_358, %dma_start3A_359] : memref<1000000x64xf32, #tpu.memory_space<hbm>> -> memref<1000000x64xf32, #tpu.memory_space<hbm>>
        tpu.enqueue_indirect_dma source(%dma_start3A_360 : memref<1000000x64xf32, #tpu.memory_space<hbm>>) target(%dma_start3A_354 : memref<104x64xf32, #tpu.memory_space<vmem>>) offsets(%dma_start3A_357 : memref<104xi32, #tpu.memory_space<vmem>>) semaphore(%arg10 : memref<!tpu.dma_semaphore, #tpu.memory_space<semaphore_mem>>)
        %mul3A_361 = arith.constant 4 : i32
        %mul3A_362 = arith.muli %add3A_344, %mul3A_361 : i32
        %add3A_363 = arith.constant 0 : i32
        %add3A_364 = arith.addi %mul3A_362, %add3A_363 : i32
        %dma_start3A_365 = arith.constant 1 : i32
        %dma_start3A_366 = arith.constant 0 : i32
        %dma_start3A_367 = arith.constant 104 : i32
        %dma_start3A_368 = arith.constant 0 : i32
        %dma_start3A_369 = tpu.memref_slice %arg7[%dma_start3A_365, %dma_start3A_366, %dma_start3A_367, %dma_start3A_368] : memref<2x4x200x64xf32, #tpu.memory_space<vmem>> -> memref<1x1x96x64xf32, #tpu.memory_space<vmem>>
        %dma_start3A_370 = tpu.memref_squeeze %dma_start3A_369 : memref<1x1x96x64xf32, #tpu.memory_space<vmem>> -> memref<96x64xf32, #tpu.memory_space<vmem>>
        %dma_start3A_371 = arith.constant 104 : i32
        %dma_start3A_372 = tpu.memref_slice %arg6[%add3A_364, %dma_start3A_371] : memref<32x200xi32, #tpu.memory_space<vmem>> -> memref<1x96xi32, #tpu.memory_space<vmem>>
        %dma_start3A_373 = tpu.memref_squeeze %dma_start3A_372 : memref<1x96xi32, #tpu.memory_space<vmem>> -> memref<96xi32, #tpu.memory_space<vmem>>
        %dma_start3A_374 = arith.constant 0 : i32
        %dma_start3A_375 = arith.constant 0 : i32
        %dma_start3A_376 = tpu.memref_slice %arg3[%dma_start3A_374, %dma_start3A_375] : memref<1000000x64xf32, #tpu.memory_space<hbm>> -> memref<1000000x64xf32, #tpu.memory_space<hbm>>
        tpu.enqueue_indirect_dma source(%dma_start3A_376 : memref<1000000x64xf32, #tpu.memory_space<hbm>>) target(%dma_start3A_370 : memref<96x64xf32, #tpu.memory_space<vmem>>) offsets(%dma_start3A_373 : memref<96xi32, #tpu.memory_space<vmem>>) semaphore(%arg10 : memref<!tpu.dma_semaphore, #tpu.memory_space<semaphore_mem>>)
        %mul3A_377 = arith.constant 4 : i32
        %mul3A_378 = arith.muli %add3A_344, %mul3A_377 : i32
        %add3A_379 = arith.constant 1 : i32
        %add3A_380 = arith.addi %mul3A_378, %add3A_379 : i32
        %dma_start3A_381 = arith.constant 1 : i32
        %dma_start3A_382 = arith.constant 1 : i32
        %dma_start3A_383 = arith.constant 0 : i32
        %dma_start3A_384 = arith.constant 0 : i32
        %dma_start3A_385 = tpu.memref_slice %arg7[%dma_start3A_381, %dma_start3A_382, %dma_start3A_383, %dma_start3A_384] : memref<2x4x200x64xf32, #tpu.memory_space<vmem>> -> memref<1x1x104x64xf32, #tpu.memory_space<vmem>>
        %dma_start3A_386 = tpu.memref_squeeze %dma_start3A_385 : memref<1x1x104x64xf32, #tpu.memory_space<vmem>> -> memref<104x64xf32, #tpu.memory_space<vmem>>
        %dma_start3A_387 = arith.constant 0 : i32
        %dma_start3A_388 = tpu.memref_slice %arg6[%add3A_380, %dma_start3A_387] : memref<32x200xi32, #tpu.memory_space<vmem>> -> memref<1x104xi32, #tpu.memory_space<vmem>>
        %dma_start3A_389 = tpu.memref_squeeze %dma_start3A_388 : memref<1x104xi32, #tpu.memory_space<vmem>> -> memref<104xi32, #tpu.memory_space<vmem>>
        %dma_start3A_390 = arith.constant 0 : i32
        %dma_start3A_391 = arith.constant 0 : i32
        %dma_start3A_392 = tpu.memref_slice %arg3[%dma_start3A_390, %dma_start3A_391] : memref<1000000x64xf32, #tpu.memory_space<hbm>> -> memref<1000000x64xf32, #tpu.memory_space<hbm>>
        tpu.enqueue_indirect_dma source(%dma_start3A_392 : memref<1000000x64xf32, #tpu.memory_space<hbm>>) target(%dma_start3A_386 : memref<104x64xf32, #tpu.memory_space<vmem>>) offsets(%dma_start3A_389 : memref<104xi32, #tpu.memory_space<vmem>>) semaphore(%arg10 : memref<!tpu.dma_semaphore, #tpu.memory_space<semaphore_mem>>)
        %mul3A_393 = arith.constant 4 : i32
        %mul3A_394 = arith.muli %add3A_344, %mul3A_393 : i32
        %add3A_395 = arith.constant 1 : i32
        %add3A_396 = arith.addi %mul3A_394, %add3A_395 : i32
        %dma_start3A_397 = arith.constant 1 : i32
        %dma_start3A_398 = arith.constant 1 : i32
        %dma_start3A_399 = arith.constant 104 : i32
        %dma_start3A_400 = arith.constant 0 : i32
        %dma_start3A_401 = tpu.memref_slice %arg7[%dma_start3A_397, %dma_start3A_398, %dma_start3A_399, %dma_start3A_400] : memref<2x4x200x64xf32, #tpu.memory_space<vmem>> -> memref<1x1x96x64xf32, #tpu.memory_space<vmem>>
        %dma_start3A_402 = tpu.memref_squeeze %dma_start3A_401 : memref<1x1x96x64xf32, #tpu.memory_space<vmem>> -> memref<96x64xf32, #tpu.memory_space<vmem>>
        %dma_start3A_403 = arith.constant 104 : i32
        %dma_start3A_404 = tpu.memref_slice %arg6[%add3A_396, %dma_start3A_403] : memref<32x200xi32, #tpu.memory_space<vmem>> -> memref<1x96xi32, #tpu.memory_space<vmem>>
        %dma_start3A_405 = tpu.memref_squeeze %dma_start3A_404 : memref<1x96xi32, #tpu.memory_space<vmem>> -> memref<96xi32, #tpu.memory_space<vmem>>
        %dma_start3A_406 = arith.constant 0 : i32
        %dma_start3A_407 = arith.constant 0 : i32
        %dma_start3A_408 = tpu.memref_slice %arg3[%dma_start3A_406, %dma_start3A_407] : memref<1000000x64xf32, #tpu.memory_space<hbm>> -> memref<1000000x64xf32, #tpu.memory_space<hbm>>
        tpu.enqueue_indirect_dma source(%dma_start3A_408 : memref<1000000x64xf32, #tpu.memory_space<hbm>>) target(%dma_start3A_402 : memref<96x64xf32, #tpu.memory_space<vmem>>) offsets(%dma_start3A_405 : memref<96xi32, #tpu.memory_space<vmem>>) semaphore(%arg10 : memref<!tpu.dma_semaphore, #tpu.memory_space<semaphore_mem>>)
        %mul3A_409 = arith.constant 4 : i32
        %mul3A_410 = arith.muli %add3A_344, %mul3A_409 : i32
        %add3A_411 = arith.constant 2 : i32
        %add3A_412 = arith.addi %mul3A_410, %add3A_411 : i32
        %dma_start3A_413 = arith.constant 1 : i32
        %dma_start3A_414 = arith.constant 2 : i32
        %dma_start3A_415 = arith.constant 0 : i32
        %dma_start3A_416 = arith.constant 0 : i32
        %dma_start3A_417 = tpu.memref_slice %arg7[%dma_start3A_413, %dma_start3A_414, %dma_start3A_415, %dma_start3A_416] : memref<2x4x200x64xf32, #tpu.memory_space<vmem>> -> memref<1x1x104x64xf32, #tpu.memory_space<vmem>>
        %dma_start3A_418 = tpu.memref_squeeze %dma_start3A_417 : memref<1x1x104x64xf32, #tpu.memory_space<vmem>> -> memref<104x64xf32, #tpu.memory_space<vmem>>
        %dma_start3A_419 = arith.constant 0 : i32
        %dma_start3A_420 = tpu.memref_slice %arg6[%add3A_412, %dma_start3A_419] : memref<32x200xi32, #tpu.memory_space<vmem>> -> memref<1x104xi32, #tpu.memory_space<vmem>>
        %dma_start3A_421 = tpu.memref_squeeze %dma_start3A_420 : memref<1x104xi32, #tpu.memory_space<vmem>> -> memref<104xi32, #tpu.memory_space<vmem>>
        %dma_start3A_422 = arith.constant 0 : i32
        %dma_start3A_423 = arith.constant 0 : i32
        %dma_start3A_424 = tpu.memref_slice %arg3[%dma_start3A_422, %dma_start3A_423] : memref<1000000x64xf32, #tpu.memory_space<hbm>> -> memref<1000000x64xf32, #tpu.memory_space<hbm>>
        tpu.enqueue_indirect_dma source(%dma_start3A_424 : memref<1000000x64xf32, #tpu.memory_space<hbm>>) target(%dma_start3A_418 : memref<104x64xf32, #tpu.memory_space<vmem>>) offsets(%dma_start3A_421 : memref<104xi32, #tpu.memory_space<vmem>>) semaphore(%arg10 : memref<!tpu.dma_semaphore, #tpu.memory_space<semaphore_mem>>)
        %mul3A_425 = arith.constant 4 : i32
        %mul3A_426 = arith.muli %add3A_344, %mul3A_425 : i32
        %add3A_427 = arith.constant 2 : i32
        %add3A_428 = arith.addi %mul3A_426, %add3A_427 : i32
        %dma_start3A_429 = arith.constant 1 : i32
        %dma_start3A_430 = arith.constant 2 : i32
        %dma_start3A_431 = arith.constant 104 : i32
        %dma_start3A_432 = arith.constant 0 : i32
        %dma_start3A_433 = tpu.memref_slice %arg7[%dma_start3A_429, %dma_start3A_430, %dma_start3A_431, %dma_start3A_432] : memref<2x4x200x64xf32, #tpu.memory_space<vmem>> -> memref<1x1x96x64xf32, #tpu.memory_space<vmem>>
        %dma_start3A_434 = tpu.memref_squeeze %dma_start3A_433 : memref<1x1x96x64xf32, #tpu.memory_space<vmem>> -> memref<96x64xf32, #tpu.memory_space<vmem>>
        %dma_start3A_435 = arith.constant 104 : i32
        %dma_start3A_436 = tpu.memref_slice %arg6[%add3A_428, %dma_start3A_435] : memref<32x200xi32, #tpu.memory_space<vmem>> -> memref<1x96xi32, #tpu.memory_space<vmem>>
        %dma_start3A_437 = tpu.memref_squeeze %dma_start3A_436 : memref<1x96xi32, #tpu.memory_space<vmem>> -> memref<96xi32, #tpu.memory_space<vmem>>
        %dma_start3A_438 = arith.constant 0 : i32
        %dma_start3A_439 = arith.constant 0 : i32
        %dma_start3A_440 = tpu.memref_slice %arg3[%dma_start3A_438, %dma_start3A_439] : memref<1000000x64xf32, #tpu.memory_space<hbm>> -> memref<1000000x64xf32, #tpu.memory_space<hbm>>
        tpu.enqueue_indirect_dma source(%dma_start3A_440 : memref<1000000x64xf32, #tpu.memory_space<hbm>>) target(%dma_start3A_434 : memref<96x64xf32, #tpu.memory_space<vmem>>) offsets(%dma_start3A_437 : memref<96xi32, #tpu.memory_space<vmem>>) semaphore(%arg10 : memref<!tpu.dma_semaphore, #tpu.memory_space<semaphore_mem>>)
        %mul3A_441 = arith.constant 4 : i32
        %mul3A_442 = arith.muli %add3A_344, %mul3A_441 : i32
        %add3A_443 = arith.constant 3 : i32
        %add3A_444 = arith.addi %mul3A_442, %add3A_443 : i32
        %dma_start3A_445 = arith.constant 1 : i32
        %dma_start3A_446 = arith.constant 3 : i32
        %dma_start3A_447 = arith.constant 0 : i32
        %dma_start3A_448 = arith.constant 0 : i32
        %dma_start3A_449 = tpu.memref_slice %arg7[%dma_start3A_445, %dma_start3A_446, %dma_start3A_447, %dma_start3A_448] : memref<2x4x200x64xf32, #tpu.memory_space<vmem>> -> memref<1x1x104x64xf32, #tpu.memory_space<vmem>>
        %dma_start3A_450 = tpu.memref_squeeze %dma_start3A_449 : memref<1x1x104x64xf32, #tpu.memory_space<vmem>> -> memref<104x64xf32, #tpu.memory_space<vmem>>
        %dma_start3A_451 = arith.constant 0 : i32
        %dma_start3A_452 = tpu.memref_slice %arg6[%add3A_444, %dma_start3A_451] : memref<32x200xi32, #tpu.memory_space<vmem>> -> memref<1x104xi32, #tpu.memory_space<vmem>>
        %dma_start3A_453 = tpu.memref_squeeze %dma_start3A_452 : memref<1x104xi32, #tpu.memory_space<vmem>> -> memref<104xi32, #tpu.memory_space<vmem>>
        %dma_start3A_454 = arith.constant 0 : i32
        %dma_start3A_455 = arith.constant 0 : i32
        %dma_start3A_456 = tpu.memref_slice %arg3[%dma_start3A_454, %dma_start3A_455] : memref<1000000x64xf32, #tpu.memory_space<hbm>> -> memref<1000000x64xf32, #tpu.memory_space<hbm>>
        tpu.enqueue_indirect_dma source(%dma_start3A_456 : memref<1000000x64xf32, #tpu.memory_space<hbm>>) target(%dma_start3A_450 : memref<104x64xf32, #tpu.memory_space<vmem>>) offsets(%dma_start3A_453 : memref<104xi32, #tpu.memory_space<vmem>>) semaphore(%arg10 : memref<!tpu.dma_semaphore, #tpu.memory_space<semaphore_mem>>)
        %mul3A_457 = arith.constant 4 : i32
        %mul3A_458 = arith.muli %add3A_344, %mul3A_457 : i32
        %add3A_459 = arith.constant 3 : i32
        %add3A_460 = arith.addi %mul3A_458, %add3A_459 : i32
        %dma_start3A_461 = arith.constant 1 : i32
        %dma_start3A_462 = arith.constant 3 : i32
        %dma_start3A_463 = arith.constant 104 : i32
        %dma_start3A_464 = arith.constant 0 : i32
        %dma_start3A_465 = tpu.memref_slice %arg7[%dma_start3A_461, %dma_start3A_462, %dma_start3A_463, %dma_start3A_464] : memref<2x4x200x64xf32, #tpu.memory_space<vmem>> -> memref<1x1x96x64xf32, #tpu.memory_space<vmem>>
        %dma_start3A_466 = tpu.memref_squeeze %dma_start3A_465 : memref<1x1x96x64xf32, #tpu.memory_space<vmem>> -> memref<96x64xf32, #tpu.memory_space<vmem>>
        %dma_start3A_467 = arith.constant 104 : i32
        %dma_start3A_468 = tpu.memref_slice %arg6[%add3A_460, %dma_start3A_467] : memref<32x200xi32, #tpu.memory_space<vmem>> -> memref<1x96xi32, #tpu.memory_space<vmem>>
        %dma_start3A_469 = tpu.memref_squeeze %dma_start3A_468 : memref<1x96xi32, #tpu.memory_space<vmem>> -> memref<96xi32, #tpu.memory_space<vmem>>
        %dma_start3A_470 = arith.constant 0 : i32
        %dma_start3A_471 = arith.constant 0 : i32
        %dma_start3A_472 = tpu.memref_slice %arg3[%dma_start3A_470, %dma_start3A_471] : memref<1000000x64xf32, #tpu.memory_space<hbm>> -> memref<1000000x64xf32, #tpu.memory_space<hbm>>
        tpu.enqueue_indirect_dma source(%dma_start3A_472 : memref<1000000x64xf32, #tpu.memory_space<hbm>>) target(%dma_start3A_466 : memref<96x64xf32, #tpu.memory_space<vmem>>) offsets(%dma_start3A_469 : memref<96xi32, #tpu.memory_space<vmem>>) semaphore(%arg10 : memref<!tpu.dma_semaphore, #tpu.memory_space<semaphore_mem>>)
      } else {
      }
      %dma_wait3A_155 = arith.constant 0 : i32
      %dma_wait3A_156 = arith.constant 0 : i32
      %dma_wait3A_157 = arith.constant 0 : i32
      %dma_wait3A_158 = arith.constant 0 : i32
      %dma_wait3A_159 = tpu.memref_slice %arg7[%dma_wait3A_155, %dma_wait3A_156, %dma_wait3A_157, %dma_wait3A_158] : memref<2x4x200x64xf32, #tpu.memory_space<vmem>> -> memref<1x1x200x64xf32, #tpu.memory_space<vmem>>
      %dma_wait3A_160 = tpu.memref_squeeze %dma_wait3A_159 : memref<1x1x200x64xf32, #tpu.memory_space<vmem>> -> memref<200x64xf32, #tpu.memory_space<vmem>>
      %dma_wait3A_161 = arith.constant 0 : i32
      %dma_wait3A_162 = arith.constant 0 : i32
      %dma_wait3A_163 = tpu.memref_slice %arg3[%dma_wait3A_161, %dma_wait3A_162] : memref<1000000x64xf32, #tpu.memory_space<hbm>> -> memref<200x64xf32, #tpu.memory_space<hbm>>
      %dma_wait3A_164 = arith.constant 0 : i32
      %dma_wait3A_165 = arith.constant 0 : i32
      %dma_wait3A_166 = tpu.memref_slice %arg7[%dma_wait3A_155, %dma_wait3A_156, %dma_wait3A_164, %dma_wait3A_165] : memref<2x4x200x64xf32, #tpu.memory_space<vmem>> -> memref<1x1x200x64xf32, #tpu.memory_space<vmem>>
      %dma_wait3A_167 = tpu.memref_squeeze %dma_wait3A_166 : memref<1x1x200x64xf32, #tpu.memory_space<vmem>> -> memref<200x64xf32, #tpu.memory_space<vmem>>
      %dma_wait3A_168 = arith.constant 0 : i32
      %dma_wait3A_169 = arith.constant 0 : i32
      %dma_wait3A_170 = tpu.memref_slice %arg3[%dma_wait3A_168, %dma_wait3A_169] : memref<1000000x64xf32, #tpu.memory_space<hbm>> -> memref<200x64xf32, #tpu.memory_space<hbm>>
      tpu.wait_dma2 semaphore(%arg9 : memref<!tpu.dma_semaphore, #tpu.memory_space<semaphore_mem>>) src(%dma_wait3A_170 : memref<200x64xf32, #tpu.memory_space<hbm>>) dst(%dma_wait3A_167 : memref<200x64xf32, #tpu.memory_space<vmem>>)
      %dma_wait3A_171 = arith.constant 0 : i32
      %dma_wait3A_172 = arith.constant 1 : i32
      %dma_wait3A_173 = arith.constant 0 : i32
      %dma_wait3A_174 = arith.constant 0 : i32
      %dma_wait3A_175 = tpu.memref_slice %arg7[%dma_wait3A_171, %dma_wait3A_172, %dma_wait3A_173, %dma_wait3A_174] : memref<2x4x200x64xf32, #tpu.memory_space<vmem>> -> memref<1x1x200x64xf32, #tpu.memory_space<vmem>>
      %dma_wait3A_176 = tpu.memref_squeeze %dma_wait3A_175 : memref<1x1x200x64xf32, #tpu.memory_space<vmem>> -> memref<200x64xf32, #tpu.memory_space<vmem>>
      %dma_wait3A_177 = arith.constant 0 : i32
      %dma_wait3A_178 = arith.constant 0 : i32
      %dma_wait3A_179 = tpu.memref_slice %arg3[%dma_wait3A_177, %dma_wait3A_178] : memref<1000000x64xf32, #tpu.memory_space<hbm>> -> memref<200x64xf32, #tpu.memory_space<hbm>>
      %dma_wait3A_180 = arith.constant 0 : i32
      %dma_wait3A_181 = arith.constant 0 : i32
      %dma_wait3A_182 = tpu.memref_slice %arg7[%dma_wait3A_171, %dma_wait3A_172, %dma_wait3A_180, %dma_wait3A_181] : memref<2x4x200x64xf32, #tpu.memory_space<vmem>> -> memref<1x1x200x64xf32, #tpu.memory_space<vmem>>
      %dma_wait3A_183 = tpu.memref_squeeze %dma_wait3A_182 : memref<1x1x200x64xf32, #tpu.memory_space<vmem>> -> memref<200x64xf32, #tpu.memory_space<vmem>>
      %dma_wait3A_184 = arith.constant 0 : i32
      %dma_wait3A_185 = arith.constant 0 : i32
      %dma_wait3A_186 = tpu.memref_slice %arg3[%dma_wait3A_184, %dma_wait3A_185] : memref<1000000x64xf32, #tpu.memory_space<hbm>> -> memref<200x64xf32, #tpu.memory_space<hbm>>
      tpu.wait_dma2 semaphore(%arg9 : memref<!tpu.dma_semaphore, #tpu.memory_space<semaphore_mem>>) src(%dma_wait3A_186 : memref<200x64xf32, #tpu.memory_space<hbm>>) dst(%dma_wait3A_183 : memref<200x64xf32, #tpu.memory_space<vmem>>)
      %dma_wait3A_187 = arith.constant 0 : i32
      %dma_wait3A_188 = arith.constant 2 : i32
      %dma_wait3A_189 = arith.constant 0 : i32
      %dma_wait3A_190 = arith.constant 0 : i32
      %dma_wait3A_191 = tpu.memref_slice %arg7[%dma_wait3A_187, %dma_wait3A_188, %dma_wait3A_189, %dma_wait3A_190] : memref<2x4x200x64xf32, #tpu.memory_space<vmem>> -> memref<1x1x200x64xf32, #tpu.memory_space<vmem>>
      %dma_wait3A_192 = tpu.memref_squeeze %dma_wait3A_191 : memref<1x1x200x64xf32, #tpu.memory_space<vmem>> -> memref<200x64xf32, #tpu.memory_space<vmem>>
      %dma_wait3A_193 = arith.constant 0 : i32
      %dma_wait3A_194 = arith.constant 0 : i32
      %dma_wait3A_195 = tpu.memref_slice %arg3[%dma_wait3A_193, %dma_wait3A_194] : memref<1000000x64xf32, #tpu.memory_space<hbm>> -> memref<200x64xf32, #tpu.memory_space<hbm>>
      %dma_wait3A_196 = arith.constant 0 : i32
      %dma_wait3A_197 = arith.constant 0 : i32
      %dma_wait3A_198 = tpu.memref_slice %arg7[%dma_wait3A_187, %dma_wait3A_188, %dma_wait3A_196, %dma_wait3A_197] : memref<2x4x200x64xf32, #tpu.memory_space<vmem>> -> memref<1x1x200x64xf32, #tpu.memory_space<vmem>>
      %dma_wait3A_199 = tpu.memref_squeeze %dma_wait3A_198 : memref<1x1x200x64xf32, #tpu.memory_space<vmem>> -> memref<200x64xf32, #tpu.memory_space<vmem>>
      %dma_wait3A_200 = arith.constant 0 : i32
      %dma_wait3A_201 = arith.constant 0 : i32
      %dma_wait3A_202 = tpu.memref_slice %arg3[%dma_wait3A_200, %dma_wait3A_201] : memref<1000000x64xf32, #tpu.memory_space<hbm>> -> memref<200x64xf32, #tpu.memory_space<hbm>>
      tpu.wait_dma2 semaphore(%arg9 : memref<!tpu.dma_semaphore, #tpu.memory_space<semaphore_mem>>) src(%dma_wait3A_202 : memref<200x64xf32, #tpu.memory_space<hbm>>) dst(%dma_wait3A_199 : memref<200x64xf32, #tpu.memory_space<vmem>>)
      %dma_wait3A_203 = arith.constant 0 : i32
      %dma_wait3A_204 = arith.constant 3 : i32
      %dma_wait3A_205 = arith.constant 0 : i32
      %dma_wait3A_206 = arith.constant 0 : i32
      %dma_wait3A_207 = tpu.memref_slice %arg7[%dma_wait3A_203, %dma_wait3A_204, %dma_wait3A_205, %dma_wait3A_206] : memref<2x4x200x64xf32, #tpu.memory_space<vmem>> -> memref<1x1x200x64xf32, #tpu.memory_space<vmem>>
      %dma_wait3A_208 = tpu.memref_squeeze %dma_wait3A_207 : memref<1x1x200x64xf32, #tpu.memory_space<vmem>> -> memref<200x64xf32, #tpu.memory_space<vmem>>
      %dma_wait3A_209 = arith.constant 0 : i32
      %dma_wait3A_210 = arith.constant 0 : i32
      %dma_wait3A_211 = tpu.memref_slice %arg3[%dma_wait3A_209, %dma_wait3A_210] : memref<1000000x64xf32, #tpu.memory_space<hbm>> -> memref<200x64xf32, #tpu.memory_space<hbm>>
      %dma_wait3A_212 = arith.constant 0 : i32
      %dma_wait3A_213 = arith.constant 0 : i32
      %dma_wait3A_214 = tpu.memref_slice %arg7[%dma_wait3A_203, %dma_wait3A_204, %dma_wait3A_212, %dma_wait3A_213] : memref<2x4x200x64xf32, #tpu.memory_space<vmem>> -> memref<1x1x200x64xf32, #tpu.memory_space<vmem>>
      %dma_wait3A_215 = tpu.memref_squeeze %dma_wait3A_214 : memref<1x1x200x64xf32, #tpu.memory_space<vmem>> -> memref<200x64xf32, #tpu.memory_space<vmem>>
      %dma_wait3A_216 = arith.constant 0 : i32
      %dma_wait3A_217 = arith.constant 0 : i32
      %dma_wait3A_218 = tpu.memref_slice %arg3[%dma_wait3A_216, %dma_wait3A_217] : memref<1000000x64xf32, #tpu.memory_space<hbm>> -> memref<200x64xf32, #tpu.memory_space<hbm>>
      tpu.wait_dma2 semaphore(%arg9 : memref<!tpu.dma_semaphore, #tpu.memory_space<semaphore_mem>>) src(%dma_wait3A_218 : memref<200x64xf32, #tpu.memory_space<hbm>>) dst(%dma_wait3A_215 : memref<200x64xf32, #tpu.memory_space<vmem>>)
      %parallel_loop3A = arith.constant 0 : i32
      %parallel_loop3A_219 = arith.constant 200 : i32
      %parallel_loop3A_220 = arith.constant 1 : i32
      scf.for %parallel_loop3A_339 = %parallel_loop3A to %parallel_loop3A_219 step %parallel_loop3A_220  : i32 {
        %parallel_loop3A_340 = arith.index_cast %parallel_loop3A_339 : i32 to index
        %parallel_loop3A_341 = arith.constant 0 : index
        %parallel_loop3A_342 = tpu.vector_load %arg8[%parallel_loop3A_340, %parallel_loop3A_341] {strides = array<i32>} : memref<200x64xf32, #tpu.memory_space<vmem>>, vector<1x16xf32>,
        %parallel_loop3A_343 = vector.shape_cast %parallel_loop3A_342 : vector<1x16xf32> to vector<16xf32>
        %parallel_loop3A_344 = arith.constant 0 : i32
        %parallel_loop3A_345 = arith.constant 0 : i32
        %parallel_loop3A_346 = arith.index_cast %parallel_loop3A_344 : i32 to index
        %parallel_loop3A_347 = arith.index_cast %parallel_loop3A_345 : i32 to index
        %parallel_loop3A_348 = arith.index_cast %parallel_loop3A_339 : i32 to index
        %parallel_loop3A_349 = arith.constant 0 : index
        %parallel_loop3A_350 = tpu.vector_load %arg7[%parallel_loop3A_346, %parallel_loop3A_347, %parallel_loop3A_348, %parallel_loop3A_349] {strides = array<i32>} : memref<2x4x200x64xf32, #tpu.memory_space<vmem>>, vector<1x1x1x16xf32>,
        %parallel_loop3A_351 = vector.shape_cast %parallel_loop3A_350 : vector<1x1x1x16xf32> to vector<16xf32>
        %parallel_loop3A_352 = arith.addf %parallel_loop3A_351, %parallel_loop3A_343 : vector<16xf32>
        %parallel_loop3A_353 = arith.constant 0 : i32
        %parallel_loop3A_354 = arith.constant 0 : i32
        %parallel_loop3A_355 = arith.index_cast %parallel_loop3A_353 : i32 to index
        %parallel_loop3A_356 = arith.index_cast %parallel_loop3A_354 : i32 to index
        %parallel_loop3A_357 = arith.index_cast %parallel_loop3A_339 : i32 to index
        %parallel_loop3A_358 = arith.constant 0 : index
        %parallel_loop3A_359 = tpu.vector_load %arg7[%parallel_loop3A_355, %parallel_loop3A_356, %parallel_loop3A_357, %parallel_loop3A_358] {strides = array<i32>} : memref<2x4x200x64xf32, #tpu.memory_space<vmem>>, vector<1x1x1x16xf32>,
        %parallel_loop3A_360 = vector.shape_cast %parallel_loop3A_359 : vector<1x1x1x16xf32> to vector<16xf32>
        %parallel_loop3A_361 = vector.shape_cast %parallel_loop3A_352 : vector<16xf32> to vector<1x1x1x16xf32>
        tpu.vector_store %arg7[%parallel_loop3A_355, %parallel_loop3A_356, %parallel_loop3A_357, %parallel_loop3A_358], %parallel_loop3A_361 {strides = array<i32>} : memref<2x4x200x64xf32, #tpu.memory_space<vmem>>, vector<1x1x1x16xf32>,
        %parallel_loop3A_362 = arith.constant 0 : i32
        %parallel_loop3A_363 = arith.constant 1 : i32
        %parallel_loop3A_364 = arith.index_cast %parallel_loop3A_362 : i32 to index
        %parallel_loop3A_365 = arith.index_cast %parallel_loop3A_363 : i32 to index
        %parallel_loop3A_366 = arith.index_cast %parallel_loop3A_339 : i32 to index
        %parallel_loop3A_367 = arith.constant 0 : index
        %parallel_loop3A_368 = tpu.vector_load %arg7[%parallel_loop3A_364, %parallel_loop3A_365, %parallel_loop3A_366, %parallel_loop3A_367] {strides = array<i32>} : memref<2x4x200x64xf32, #tpu.memory_space<vmem>>, vector<1x1x1x16xf32>,
        %parallel_loop3A_369 = vector.shape_cast %parallel_loop3A_368 : vector<1x1x1x16xf32> to vector<16xf32>
        %parallel_loop3A_370 = arith.addf %parallel_loop3A_369, %parallel_loop3A_343 : vector<16xf32>
        %parallel_loop3A_371 = arith.constant 0 : i32
        %parallel_loop3A_372 = arith.constant 1 : i32
        %parallel_loop3A_373 = arith.index_cast %parallel_loop3A_371 : i32 to index
        %parallel_loop3A_374 = arith.index_cast %parallel_loop3A_372 : i32 to index
        %parallel_loop3A_375 = arith.index_cast %parallel_loop3A_339 : i32 to index
        %parallel_loop3A_376 = arith.constant 0 : index
        %parallel_loop3A_377 = tpu.vector_load %arg7[%parallel_loop3A_373, %parallel_loop3A_374, %parallel_loop3A_375, %parallel_loop3A_376] {strides = array<i32>} : memref<2x4x200x64xf32, #tpu.memory_space<vmem>>, vector<1x1x1x16xf32>,
        %parallel_loop3A_378 = vector.shape_cast %parallel_loop3A_377 : vector<1x1x1x16xf32> to vector<16xf32>
        %parallel_loop3A_379 = vector.shape_cast %parallel_loop3A_370 : vector<16xf32> to vector<1x1x1x16xf32>
        tpu.vector_store %arg7[%parallel_loop3A_373, %parallel_loop3A_374, %parallel_loop3A_375, %parallel_loop3A_376], %parallel_loop3A_379 {strides = array<i32>} : memref<2x4x200x64xf32, #tpu.memory_space<vmem>>, vector<1x1x1x16xf32>,
        %parallel_loop3A_380 = arith.constant 0 : i32
        %parallel_loop3A_381 = arith.constant 2 : i32
        %parallel_loop3A_382 = arith.index_cast %parallel_loop3A_380 : i32 to index
        %parallel_loop3A_383 = arith.index_cast %parallel_loop3A_381 : i32 to index
        %parallel_loop3A_384 = arith.index_cast %parallel_loop3A_339 : i32 to index
        %parallel_loop3A_385 = arith.constant 0 : index
        %parallel_loop3A_386 = tpu.vector_load %arg7[%parallel_loop3A_382, %parallel_loop3A_383, %parallel_loop3A_384, %parallel_loop3A_385] {strides = array<i32>} : memref<2x4x200x64xf32, #tpu.memory_space<vmem>>, vector<1x1x1x16xf32>,
        %parallel_loop3A_387 = vector.shape_cast %parallel_loop3A_386 : vector<1x1x1x16xf32> to vector<16xf32>
        %parallel_loop3A_388 = arith.addf %parallel_loop3A_387, %parallel_loop3A_343 : vector<16xf32>
        %parallel_loop3A_389 = arith.constant 0 : i32
        %parallel_loop3A_390 = arith.constant 2 : i32
        %parallel_loop3A_391 = arith.index_cast %parallel_loop3A_389 : i32 to index
        %parallel_loop3A_392 = arith.index_cast %parallel_loop3A_390 : i32 to index
        %parallel_loop3A_393 = arith.index_cast %parallel_loop3A_339 : i32 to index
        %parallel_loop3A_394 = arith.constant 0 : index
        %parallel_loop3A_395 = tpu.vector_load %arg7[%parallel_loop3A_391, %parallel_loop3A_392, %parallel_loop3A_393, %parallel_loop3A_394] {strides = array<i32>} : memref<2x4x200x64xf32, #tpu.memory_space<vmem>>, vector<1x1x1x16xf32>,
        %parallel_loop3A_396 = vector.shape_cast %parallel_loop3A_395 : vector<1x1x1x16xf32> to vector<16xf32>
        %parallel_loop3A_397 = vector.shape_cast %parallel_loop3A_388 : vector<16xf32> to vector<1x1x1x16xf32>
        tpu.vector_store %arg7[%parallel_loop3A_391, %parallel_loop3A_392, %parallel_loop3A_393, %parallel_loop3A_394], %parallel_loop3A_397 {strides = array<i32>} : memref<2x4x200x64xf32, #tpu.memory_space<vmem>>, vector<1x1x1x16xf32>,
        %parallel_loop3A_398 = arith.constant 0 : i32
        %parallel_loop3A_399 = arith.constant 3 : i32
        %parallel_loop3A_400 = arith.index_cast %parallel_loop3A_398 : i32 to index
        %parallel_loop3A_401 = arith.index_cast %parallel_loop3A_399 : i32 to index
        %parallel_loop3A_402 = arith.index_cast %parallel_loop3A_339 : i32 to index
        %parallel_loop3A_403 = arith.constant 0 : index
        %parallel_loop3A_404 = tpu.vector_load %arg7[%parallel_loop3A_400, %parallel_loop3A_401, %parallel_loop3A_402, %parallel_loop3A_403] {strides = array<i32>} : memref<2x4x200x64xf32, #tpu.memory_space<vmem>>, vector<1x1x1x16xf32>,
        %parallel_loop3A_405 = vector.shape_cast %parallel_loop3A_404 : vector<1x1x1x16xf32> to vector<16xf32>
        %parallel_loop3A_406 = arith.addf %parallel_loop3A_405, %parallel_loop3A_343 : vector<16xf32>
        %parallel_loop3A_407 = arith.constant 0 : i32
        %parallel_loop3A_408 = arith.constant 3 : i32
        %parallel_loop3A_409 = arith.index_cast %parallel_loop3A_407 : i32 to index
        %parallel_loop3A_410 = arith.index_cast %parallel_loop3A_408 : i32 to index
        %parallel_loop3A_411 = arith.index_cast %parallel_loop3A_339 : i32 to index
        %parallel_loop3A_412 = arith.constant 0 : index
        %parallel_loop3A_413 = tpu.vector_load %arg7[%parallel_loop3A_409, %parallel_loop3A_410, %parallel_loop3A_411, %parallel_loop3A_412] {strides = array<i32>} : memref<2x4x200x64xf32, #tpu.memory_space<vmem>>, vector<1x1x1x16xf32>,
        %parallel_loop3A_414 = vector.shape_cast %parallel_loop3A_413 : vector<1x1x1x16xf32> to vector<16xf32>
        %parallel_loop3A_415 = vector.shape_cast %parallel_loop3A_406 : vector<16xf32> to vector<1x1x1x16xf32>
        tpu.vector_store %arg7[%parallel_loop3A_409, %parallel_loop3A_410, %parallel_loop3A_411, %parallel_loop3A_412], %parallel_loop3A_415 {strides = array<i32>} : memref<2x4x200x64xf32, #tpu.memory_space<vmem>>, vector<1x1x1x16xf32>,
        %parallel_loop3A_416 = arith.index_cast %parallel_loop3A_339 : i32 to index
        %parallel_loop3A_417 = arith.constant 16 : index
        %parallel_loop3A_418 = tpu.vector_load %arg8[%parallel_loop3A_416, %parallel_loop3A_417] {strides = array<i32>} : memref<200x64xf32, #tpu.memory_space<vmem>>, vector<1x16xf32>,
        %parallel_loop3A_419 = vector.shape_cast %parallel_loop3A_418 : vector<1x16xf32> to vector<16xf32>
        %parallel_loop3A_420 = arith.constant 0 : i32
        %parallel_loop3A_421 = arith.constant 0 : i32
        %parallel_loop3A_422 = arith.index_cast %parallel_loop3A_420 : i32 to index
        %parallel_loop3A_423 = arith.index_cast %parallel_loop3A_421 : i32 to index
        %parallel_loop3A_424 = arith.index_cast %parallel_loop3A_339 : i32 to index
        %parallel_loop3A_425 = arith.constant 16 : index
        %parallel_loop3A_426 = tpu.vector_load %arg7[%parallel_loop3A_422, %parallel_loop3A_423, %parallel_loop3A_424, %parallel_loop3A_425] {strides = array<i32>} : memref<2x4x200x64xf32, #tpu.memory_space<vmem>>, vector<1x1x1x16xf32>,
        %parallel_loop3A_427 = vector.shape_cast %parallel_loop3A_426 : vector<1x1x1x16xf32> to vector<16xf32>
        %parallel_loop3A_428 = arith.addf %parallel_loop3A_427, %parallel_loop3A_419 : vector<16xf32>
        %parallel_loop3A_429 = arith.constant 0 : i32
        %parallel_loop3A_430 = arith.constant 0 : i32
        %parallel_loop3A_431 = arith.index_cast %parallel_loop3A_429 : i32 to index
        %parallel_loop3A_432 = arith.index_cast %parallel_loop3A_430 : i32 to index
        %parallel_loop3A_433 = arith.index_cast %parallel_loop3A_339 : i32 to index
        %parallel_loop3A_434 = arith.constant 16 : index
        %parallel_loop3A_435 = tpu.vector_load %arg7[%parallel_loop3A_431, %parallel_loop3A_432, %parallel_loop3A_433, %parallel_loop3A_434] {strides = array<i32>} : memref<2x4x200x64xf32, #tpu.memory_space<vmem>>, vector<1x1x1x16xf32>,
        %parallel_loop3A_436 = vector.shape_cast %parallel_loop3A_435 : vector<1x1x1x16xf32> to vector<16xf32>
        %parallel_loop3A_437 = vector.shape_cast %parallel_loop3A_428 : vector<16xf32> to vector<1x1x1x16xf32>
        tpu.vector_store %arg7[%parallel_loop3A_431, %parallel_loop3A_432, %parallel_loop3A_433, %parallel_loop3A_434], %parallel_loop3A_437 {strides = array<i32>} : memref<2x4x200x64xf32, #tpu.memory_space<vmem>>, vector<1x1x1x16xf32>,
        %parallel_loop3A_438 = arith.constant 0 : i32
        %parallel_loop3A_439 = arith.constant 1 : i32
        %parallel_loop3A_440 = arith.index_cast %parallel_loop3A_438 : i32 to index
        %parallel_loop3A_441 = arith.index_cast %parallel_loop3A_439 : i32 to index
        %parallel_loop3A_442 = arith.index_cast %parallel_loop3A_339 : i32 to index
        %parallel_loop3A_443 = arith.constant 16 : index
        %parallel_loop3A_444 = tpu.vector_load %arg7[%parallel_loop3A_440, %parallel_loop3A_441, %parallel_loop3A_442, %parallel_loop3A_443] {strides = array<i32>} : memref<2x4x200x64xf32, #tpu.memory_space<vmem>>, vector<1x1x1x16xf32>,
        %parallel_loop3A_445 = vector.shape_cast %parallel_loop3A_444 : vector<1x1x1x16xf32> to vector<16xf32>
        %parallel_loop3A_446 = arith.addf %parallel_loop3A_445, %parallel_loop3A_419 : vector<16xf32>
        %parallel_loop3A_447 = arith.constant 0 : i32
        %parallel_loop3A_448 = arith.constant 1 : i32
        %parallel_loop3A_449 = arith.index_cast %parallel_loop3A_447 : i32 to index
        %parallel_loop3A_450 = arith.index_cast %parallel_loop3A_448 : i32 to index
        %parallel_loop3A_451 = arith.index_cast %parallel_loop3A_339 : i32 to index
        %parallel_loop3A_452 = arith.constant 16 : index
        %parallel_loop3A_453 = tpu.vector_load %arg7[%parallel_loop3A_449, %parallel_loop3A_450, %parallel_loop3A_451, %parallel_loop3A_452] {strides = array<i32>} : memref<2x4x200x64xf32, #tpu.memory_space<vmem>>, vector<1x1x1x16xf32>,
        %parallel_loop3A_454 = vector.shape_cast %parallel_loop3A_453 : vector<1x1x1x16xf32> to vector<16xf32>
        %parallel_loop3A_455 = vector.shape_cast %parallel_loop3A_446 : vector<16xf32> to vector<1x1x1x16xf32>
        tpu.vector_store %arg7[%parallel_loop3A_449, %parallel_loop3A_450, %parallel_loop3A_451, %parallel_loop3A_452], %parallel_loop3A_455 {strides = array<i32>} : memref<2x4x200x64xf32, #tpu.memory_space<vmem>>, vector<1x1x1x16xf32>,
        %parallel_loop3A_456 = arith.constant 0 : i32
        %parallel_loop3A_457 = arith.constant 2 : i32
        %parallel_loop3A_458 = arith.index_cast %parallel_loop3A_456 : i32 to index
        %parallel_loop3A_459 = arith.index_cast %parallel_loop3A_457 : i32 to index
        %parallel_loop3A_460 = arith.index_cast %parallel_loop3A_339 : i32 to index
        %parallel_loop3A_461 = arith.constant 16 : index
        %parallel_loop3A_462 = tpu.vector_load %arg7[%parallel_loop3A_458, %parallel_loop3A_459, %parallel_loop3A_460, %parallel_loop3A_461] {strides = array<i32>} : memref<2x4x200x64xf32, #tpu.memory_space<vmem>>, vector<1x1x1x16xf32>,
        %parallel_loop3A_463 = vector.shape_cast %parallel_loop3A_462 : vector<1x1x1x16xf32> to vector<16xf32>
        %parallel_loop3A_464 = arith.addf %parallel_loop3A_463, %parallel_loop3A_419 : vector<16xf32>
        %parallel_loop3A_465 = arith.constant 0 : i32
        %parallel_loop3A_466 = arith.constant 2 : i32
        %parallel_loop3A_467 = arith.index_cast %parallel_loop3A_465 : i32 to index
        %parallel_loop3A_468 = arith.index_cast %parallel_loop3A_466 : i32 to index
        %parallel_loop3A_469 = arith.index_cast %parallel_loop3A_339 : i32 to index
        %parallel_loop3A_470 = arith.constant 16 : index
        %parallel_loop3A_471 = tpu.vector_load %arg7[%parallel_loop3A_467, %parallel_loop3A_468, %parallel_loop3A_469, %parallel_loop3A_470] {strides = array<i32>} : memref<2x4x200x64xf32, #tpu.memory_space<vmem>>, vector<1x1x1x16xf32>,
        %parallel_loop3A_472 = vector.shape_cast %parallel_loop3A_471 : vector<1x1x1x16xf32> to vector<16xf32>
        %parallel_loop3A_473 = vector.shape_cast %parallel_loop3A_464 : vector<16xf32> to vector<1x1x1x16xf32>
        tpu.vector_store %arg7[%parallel_loop3A_467, %parallel_loop3A_468, %parallel_loop3A_469, %parallel_loop3A_470], %parallel_loop3A_473 {strides = array<i32>} : memref<2x4x200x64xf32, #tpu.memory_space<vmem>>, vector<1x1x1x16xf32>,
        %parallel_loop3A_474 = arith.constant 0 : i32
        %parallel_loop3A_475 = arith.constant 3 : i32
        %parallel_loop3A_476 = arith.index_cast %parallel_loop3A_474 : i32 to index
        %parallel_loop3A_477 = arith.index_cast %parallel_loop3A_475 : i32 to index
        %parallel_loop3A_478 = arith.index_cast %parallel_loop3A_339 : i32 to index
        %parallel_loop3A_479 = arith.constant 16 : index
        %parallel_loop3A_480 = tpu.vector_load %arg7[%parallel_loop3A_476, %parallel_loop3A_477, %parallel_loop3A_478, %parallel_loop3A_479] {strides = array<i32>} : memref<2x4x200x64xf32, #tpu.memory_space<vmem>>, vector<1x1x1x16xf32>,
        %parallel_loop3A_481 = vector.shape_cast %parallel_loop3A_480 : vector<1x1x1x16xf32> to vector<16xf32>
        %parallel_loop3A_482 = arith.addf %parallel_loop3A_481, %parallel_loop3A_419 : vector<16xf32>
        %parallel_loop3A_483 = arith.constant 0 : i32
        %parallel_loop3A_484 = arith.constant 3 : i32
        %parallel_loop3A_485 = arith.index_cast %parallel_loop3A_483 : i32 to index
        %parallel_loop3A_486 = arith.index_cast %parallel_loop3A_484 : i32 to index
        %parallel_loop3A_487 = arith.index_cast %parallel_loop3A_339 : i32 to index
        %parallel_loop3A_488 = arith.constant 16 : index
        %parallel_loop3A_489 = tpu.vector_load %arg7[%parallel_loop3A_485, %parallel_loop3A_486, %parallel_loop3A_487, %parallel_loop3A_488] {strides = array<i32>} : memref<2x4x200x64xf32, #tpu.memory_space<vmem>>, vector<1x1x1x16xf32>,
        %parallel_loop3A_490 = vector.shape_cast %parallel_loop3A_489 : vector<1x1x1x16xf32> to vector<16xf32>
        %parallel_loop3A_491 = vector.shape_cast %parallel_loop3A_482 : vector<16xf32> to vector<1x1x1x16xf32>
        tpu.vector_store %arg7[%parallel_loop3A_485, %parallel_loop3A_486, %parallel_loop3A_487, %parallel_loop3A_488], %parallel_loop3A_491 {strides = array<i32>} : memref<2x4x200x64xf32, #tpu.memory_space<vmem>>, vector<1x1x1x16xf32>,
        %parallel_loop3A_492 = arith.index_cast %parallel_loop3A_339 : i32 to index
        %parallel_loop3A_493 = arith.constant 32 : index
        %parallel_loop3A_494 = tpu.vector_load %arg8[%parallel_loop3A_492, %parallel_loop3A_493] {strides = array<i32>} : memref<200x64xf32, #tpu.memory_space<vmem>>, vector<1x16xf32>,
        %parallel_loop3A_495 = vector.shape_cast %parallel_loop3A_494 : vector<1x16xf32> to vector<16xf32>
        %parallel_loop3A_496 = arith.constant 0 : i32
        %parallel_loop3A_497 = arith.constant 0 : i32
        %parallel_loop3A_498 = arith.index_cast %parallel_loop3A_496 : i32 to index
        %parallel_loop3A_499 = arith.index_cast %parallel_loop3A_497 : i32 to index
        %parallel_loop3A_500 = arith.index_cast %parallel_loop3A_339 : i32 to index
        %parallel_loop3A_501 = arith.constant 32 : index
        %parallel_loop3A_502 = tpu.vector_load %arg7[%parallel_loop3A_498, %parallel_loop3A_499, %parallel_loop3A_500, %parallel_loop3A_501] {strides = array<i32>} : memref<2x4x200x64xf32, #tpu.memory_space<vmem>>, vector<1x1x1x16xf32>,
        %parallel_loop3A_503 = vector.shape_cast %parallel_loop3A_502 : vector<1x1x1x16xf32> to vector<16xf32>
        %parallel_loop3A_504 = arith.addf %parallel_loop3A_503, %parallel_loop3A_495 : vector<16xf32>
        %parallel_loop3A_505 = arith.constant 0 : i32
        %parallel_loop3A_506 = arith.constant 0 : i32
        %parallel_loop3A_507 = arith.index_cast %parallel_loop3A_505 : i32 to index
        %parallel_loop3A_508 = arith.index_cast %parallel_loop3A_506 : i32 to index
        %parallel_loop3A_509 = arith.index_cast %parallel_loop3A_339 : i32 to index
        %parallel_loop3A_510 = arith.constant 32 : index
        %parallel_loop3A_511 = tpu.vector_load %arg7[%parallel_loop3A_507, %parallel_loop3A_508, %parallel_loop3A_509, %parallel_loop3A_510] {strides = array<i32>} : memref<2x4x200x64xf32, #tpu.memory_space<vmem>>, vector<1x1x1x16xf32>,
        %parallel_loop3A_512 = vector.shape_cast %parallel_loop3A_511 : vector<1x1x1x16xf32> to vector<16xf32>
        %parallel_loop3A_513 = vector.shape_cast %parallel_loop3A_504 : vector<16xf32> to vector<1x1x1x16xf32>
        tpu.vector_store %arg7[%parallel_loop3A_507, %parallel_loop3A_508, %parallel_loop3A_509, %parallel_loop3A_510], %parallel_loop3A_513 {strides = array<i32>} : memref<2x4x200x64xf32, #tpu.memory_space<vmem>>, vector<1x1x1x16xf32>,
        %parallel_loop3A_514 = arith.constant 0 : i32
        %parallel_loop3A_515 = arith.constant 1 : i32
        %parallel_loop3A_516 = arith.index_cast %parallel_loop3A_514 : i32 to index
        %parallel_loop3A_517 = arith.index_cast %parallel_loop3A_515 : i32 to index
        %parallel_loop3A_518 = arith.index_cast %parallel_loop3A_339 : i32 to index
        %parallel_loop3A_519 = arith.constant 32 : index
        %parallel_loop3A_520 = tpu.vector_load %arg7[%parallel_loop3A_516, %parallel_loop3A_517, %parallel_loop3A_518, %parallel_loop3A_519] {strides = array<i32>} : memref<2x4x200x64xf32, #tpu.memory_space<vmem>>, vector<1x1x1x16xf32>,
        %parallel_loop3A_521 = vector.shape_cast %parallel_loop3A_520 : vector<1x1x1x16xf32> to vector<16xf32>
        %parallel_loop3A_522 = arith.addf %parallel_loop3A_521, %parallel_loop3A_495 : vector<16xf32>
        %parallel_loop3A_523 = arith.constant 0 : i32
        %parallel_loop3A_524 = arith.constant 1 : i32
        %parallel_loop3A_525 = arith.index_cast %parallel_loop3A_523 : i32 to index
        %parallel_loop3A_526 = arith.index_cast %parallel_loop3A_524 : i32 to index
        %parallel_loop3A_527 = arith.index_cast %parallel_loop3A_339 : i32 to index
        %parallel_loop3A_528 = arith.constant 32 : index
        %parallel_loop3A_529 = tpu.vector_load %arg7[%parallel_loop3A_525, %parallel_loop3A_526, %parallel_loop3A_527, %parallel_loop3A_528] {strides = array<i32>} : memref<2x4x200x64xf32, #tpu.memory_space<vmem>>, vector<1x1x1x16xf32>,
        %parallel_loop3A_530 = vector.shape_cast %parallel_loop3A_529 : vector<1x1x1x16xf32> to vector<16xf32>
        %parallel_loop3A_531 = vector.shape_cast %parallel_loop3A_522 : vector<16xf32> to vector<1x1x1x16xf32>
        tpu.vector_store %arg7[%parallel_loop3A_525, %parallel_loop3A_526, %parallel_loop3A_527, %parallel_loop3A_528], %parallel_loop3A_531 {strides = array<i32>} : memref<2x4x200x64xf32, #tpu.memory_space<vmem>>, vector<1x1x1x16xf32>,
        %parallel_loop3A_532 = arith.constant 0 : i32
        %parallel_loop3A_533 = arith.constant 2 : i32
        %parallel_loop3A_534 = arith.index_cast %parallel_loop3A_532 : i32 to index
        %parallel_loop3A_535 = arith.index_cast %parallel_loop3A_533 : i32 to index
        %parallel_loop3A_536 = arith.index_cast %parallel_loop3A_339 : i32 to index
        %parallel_loop3A_537 = arith.constant 32 : index
        %parallel_loop3A_538 = tpu.vector_load %arg7[%parallel_loop3A_534, %parallel_loop3A_535, %parallel_loop3A_536, %parallel_loop3A_537] {strides = array<i32>} : memref<2x4x200x64xf32, #tpu.memory_space<vmem>>, vector<1x1x1x16xf32>,
        %parallel_loop3A_539 = vector.shape_cast %parallel_loop3A_538 : vector<1x1x1x16xf32> to vector<16xf32>
        %parallel_loop3A_540 = arith.addf %parallel_loop3A_539, %parallel_loop3A_495 : vector<16xf32>
        %parallel_loop3A_541 = arith.constant 0 : i32
        %parallel_loop3A_542 = arith.constant 2 : i32
        %parallel_loop3A_543 = arith.index_cast %parallel_loop3A_541 : i32 to index
        %parallel_loop3A_544 = arith.index_cast %parallel_loop3A_542 : i32 to index
        %parallel_loop3A_545 = arith.index_cast %parallel_loop3A_339 : i32 to index
        %parallel_loop3A_546 = arith.constant 32 : index
        %parallel_loop3A_547 = tpu.vector_load %arg7[%parallel_loop3A_543, %parallel_loop3A_544, %parallel_loop3A_545, %parallel_loop3A_546] {strides = array<i32>} : memref<2x4x200x64xf32, #tpu.memory_space<vmem>>, vector<1x1x1x16xf32>,
        %parallel_loop3A_548 = vector.shape_cast %parallel_loop3A_547 : vector<1x1x1x16xf32> to vector<16xf32>
        %parallel_loop3A_549 = vector.shape_cast %parallel_loop3A_540 : vector<16xf32> to vector<1x1x1x16xf32>
        tpu.vector_store %arg7[%parallel_loop3A_543, %parallel_loop3A_544, %parallel_loop3A_545, %parallel_loop3A_546], %parallel_loop3A_549 {strides = array<i32>} : memref<2x4x200x64xf32, #tpu.memory_space<vmem>>, vector<1x1x1x16xf32>,
        %parallel_loop3A_550 = arith.constant 0 : i32
        %parallel_loop3A_551 = arith.constant 3 : i32
        %parallel_loop3A_552 = arith.index_cast %parallel_loop3A_550 : i32 to index
        %parallel_loop3A_553 = arith.index_cast %parallel_loop3A_551 : i32 to index
        %parallel_loop3A_554 = arith.index_cast %parallel_loop3A_339 : i32 to index
        %parallel_loop3A_555 = arith.constant 32 : index
        %parallel_loop3A_556 = tpu.vector_load %arg7[%parallel_loop3A_552, %parallel_loop3A_553, %parallel_loop3A_554, %parallel_loop3A_555] {strides = array<i32>} : memref<2x4x200x64xf32, #tpu.memory_space<vmem>>, vector<1x1x1x16xf32>,
        %parallel_loop3A_557 = vector.shape_cast %parallel_loop3A_556 : vector<1x1x1x16xf32> to vector<16xf32>
        %parallel_loop3A_558 = arith.addf %parallel_loop3A_557, %parallel_loop3A_495 : vector<16xf32>
        %parallel_loop3A_559 = arith.constant 0 : i32
        %parallel_loop3A_560 = arith.constant 3 : i32
        %parallel_loop3A_561 = arith.index_cast %parallel_loop3A_559 : i32 to index
        %parallel_loop3A_562 = arith.index_cast %parallel_loop3A_560 : i32 to index
        %parallel_loop3A_563 = arith.index_cast %parallel_loop3A_339 : i32 to index
        %parallel_loop3A_564 = arith.constant 32 : index
        %parallel_loop3A_565 = tpu.vector_load %arg7[%parallel_loop3A_561, %parallel_loop3A_562, %parallel_loop3A_563, %parallel_loop3A_564] {strides = array<i32>} : memref<2x4x200x64xf32, #tpu.memory_space<vmem>>, vector<1x1x1x16xf32>,
        %parallel_loop3A_566 = vector.shape_cast %parallel_loop3A_565 : vector<1x1x1x16xf32> to vector<16xf32>
        %parallel_loop3A_567 = vector.shape_cast %parallel_loop3A_558 : vector<16xf32> to vector<1x1x1x16xf32>
        tpu.vector_store %arg7[%parallel_loop3A_561, %parallel_loop3A_562, %parallel_loop3A_563, %parallel_loop3A_564], %parallel_loop3A_567 {strides = array<i32>} : memref<2x4x200x64xf32, #tpu.memory_space<vmem>>, vector<1x1x1x16xf32>,
        %parallel_loop3A_568 = arith.index_cast %parallel_loop3A_339 : i32 to index
        %parallel_loop3A_569 = arith.constant 48 : index
        %parallel_loop3A_570 = tpu.vector_load %arg8[%parallel_loop3A_568, %parallel_loop3A_569] {strides = array<i32>} : memref<200x64xf32, #tpu.memory_space<vmem>>, vector<1x16xf32>,
        %parallel_loop3A_571 = vector.shape_cast %parallel_loop3A_570 : vector<1x16xf32> to vector<16xf32>
        %parallel_loop3A_572 = arith.constant 0 : i32
        %parallel_loop3A_573 = arith.constant 0 : i32
        %parallel_loop3A_574 = arith.index_cast %parallel_loop3A_572 : i32 to index
        %parallel_loop3A_575 = arith.index_cast %parallel_loop3A_573 : i32 to index
        %parallel_loop3A_576 = arith.index_cast %parallel_loop3A_339 : i32 to index
        %parallel_loop3A_577 = arith.constant 48 : index
        %parallel_loop3A_578 = tpu.vector_load %arg7[%parallel_loop3A_574, %parallel_loop3A_575, %parallel_loop3A_576, %parallel_loop3A_577] {strides = array<i32>} : memref<2x4x200x64xf32, #tpu.memory_space<vmem>>, vector<1x1x1x16xf32>,
        %parallel_loop3A_579 = vector.shape_cast %parallel_loop3A_578 : vector<1x1x1x16xf32> to vector<16xf32>
        %parallel_loop3A_580 = arith.addf %parallel_loop3A_579, %parallel_loop3A_571 : vector<16xf32>
        %parallel_loop3A_581 = arith.constant 0 : i32
        %parallel_loop3A_582 = arith.constant 0 : i32
        %parallel_loop3A_583 = arith.index_cast %parallel_loop3A_581 : i32 to index
        %parallel_loop3A_584 = arith.index_cast %parallel_loop3A_582 : i32 to index
        %parallel_loop3A_585 = arith.index_cast %parallel_loop3A_339 : i32 to index
        %parallel_loop3A_586 = arith.constant 48 : index
        %parallel_loop3A_587 = tpu.vector_load %arg7[%parallel_loop3A_583, %parallel_loop3A_584, %parallel_loop3A_585, %parallel_loop3A_586] {strides = array<i32>} : memref<2x4x200x64xf32, #tpu.memory_space<vmem>>, vector<1x1x1x16xf32>,
        %parallel_loop3A_588 = vector.shape_cast %parallel_loop3A_587 : vector<1x1x1x16xf32> to vector<16xf32>
        %parallel_loop3A_589 = vector.shape_cast %parallel_loop3A_580 : vector<16xf32> to vector<1x1x1x16xf32>
        tpu.vector_store %arg7[%parallel_loop3A_583, %parallel_loop3A_584, %parallel_loop3A_585, %parallel_loop3A_586], %parallel_loop3A_589 {strides = array<i32>} : memref<2x4x200x64xf32, #tpu.memory_space<vmem>>, vector<1x1x1x16xf32>,
        %parallel_loop3A_590 = arith.constant 0 : i32
        %parallel_loop3A_591 = arith.constant 1 : i32
        %parallel_loop3A_592 = arith.index_cast %parallel_loop3A_590 : i32 to index
        %parallel_loop3A_593 = arith.index_cast %parallel_loop3A_591 : i32 to index
        %parallel_loop3A_594 = arith.index_cast %parallel_loop3A_339 : i32 to index
        %parallel_loop3A_595 = arith.constant 48 : index
        %parallel_loop3A_596 = tpu.vector_load %arg7[%parallel_loop3A_592, %parallel_loop3A_593, %parallel_loop3A_594, %parallel_loop3A_595] {strides = array<i32>} : memref<2x4x200x64xf32, #tpu.memory_space<vmem>>, vector<1x1x1x16xf32>,
        %parallel_loop3A_597 = vector.shape_cast %parallel_loop3A_596 : vector<1x1x1x16xf32> to vector<16xf32>
        %parallel_loop3A_598 = arith.addf %parallel_loop3A_597, %parallel_loop3A_571 : vector<16xf32>
        %parallel_loop3A_599 = arith.constant 0 : i32
        %parallel_loop3A_600 = arith.constant 1 : i32
        %parallel_loop3A_601 = arith.index_cast %parallel_loop3A_599 : i32 to index
        %parallel_loop3A_602 = arith.index_cast %parallel_loop3A_600 : i32 to index
        %parallel_loop3A_603 = arith.index_cast %parallel_loop3A_339 : i32 to index
        %parallel_loop3A_604 = arith.constant 48 : index
        %parallel_loop3A_605 = tpu.vector_load %arg7[%parallel_loop3A_601, %parallel_loop3A_602, %parallel_loop3A_603, %parallel_loop3A_604] {strides = array<i32>} : memref<2x4x200x64xf32, #tpu.memory_space<vmem>>, vector<1x1x1x16xf32>,
        %parallel_loop3A_606 = vector.shape_cast %parallel_loop3A_605 : vector<1x1x1x16xf32> to vector<16xf32>
        %parallel_loop3A_607 = vector.shape_cast %parallel_loop3A_598 : vector<16xf32> to vector<1x1x1x16xf32>
        tpu.vector_store %arg7[%parallel_loop3A_601, %parallel_loop3A_602, %parallel_loop3A_603, %parallel_loop3A_604], %parallel_loop3A_607 {strides = array<i32>} : memref<2x4x200x64xf32, #tpu.memory_space<vmem>>, vector<1x1x1x16xf32>,
        %parallel_loop3A_608 = arith.constant 0 : i32
        %parallel_loop3A_609 = arith.constant 2 : i32
        %parallel_loop3A_610 = arith.index_cast %parallel_loop3A_608 : i32 to index
        %parallel_loop3A_611 = arith.index_cast %parallel_loop3A_609 : i32 to index
        %parallel_loop3A_612 = arith.index_cast %parallel_loop3A_339 : i32 to index
        %parallel_loop3A_613 = arith.constant 48 : index
        %parallel_loop3A_614 = tpu.vector_load %arg7[%parallel_loop3A_610, %parallel_loop3A_611, %parallel_loop3A_612, %parallel_loop3A_613] {strides = array<i32>} : memref<2x4x200x64xf32, #tpu.memory_space<vmem>>, vector<1x1x1x16xf32>,
        %parallel_loop3A_615 = vector.shape_cast %parallel_loop3A_614 : vector<1x1x1x16xf32> to vector<16xf32>
        %parallel_loop3A_616 = arith.addf %parallel_loop3A_615, %parallel_loop3A_571 : vector<16xf32>
        %parallel_loop3A_617 = arith.constant 0 : i32
        %parallel_loop3A_618 = arith.constant 2 : i32
        %parallel_loop3A_619 = arith.index_cast %parallel_loop3A_617 : i32 to index
        %parallel_loop3A_620 = arith.index_cast %parallel_loop3A_618 : i32 to index
        %parallel_loop3A_621 = arith.index_cast %parallel_loop3A_339 : i32 to index
        %parallel_loop3A_622 = arith.constant 48 : index
        %parallel_loop3A_623 = tpu.vector_load %arg7[%parallel_loop3A_619, %parallel_loop3A_620, %parallel_loop3A_621, %parallel_loop3A_622] {strides = array<i32>} : memref<2x4x200x64xf32, #tpu.memory_space<vmem>>, vector<1x1x1x16xf32>,
        %parallel_loop3A_624 = vector.shape_cast %parallel_loop3A_623 : vector<1x1x1x16xf32> to vector<16xf32>
        %parallel_loop3A_625 = vector.shape_cast %parallel_loop3A_616 : vector<16xf32> to vector<1x1x1x16xf32>
        tpu.vector_store %arg7[%parallel_loop3A_619, %parallel_loop3A_620, %parallel_loop3A_621, %parallel_loop3A_622], %parallel_loop3A_625 {strides = array<i32>} : memref<2x4x200x64xf32, #tpu.memory_space<vmem>>, vector<1x1x1x16xf32>,
        %parallel_loop3A_626 = arith.constant 0 : i32
        %parallel_loop3A_627 = arith.constant 3 : i32
        %parallel_loop3A_628 = arith.index_cast %parallel_loop3A_626 : i32 to index
        %parallel_loop3A_629 = arith.index_cast %parallel_loop3A_627 : i32 to index
        %parallel_loop3A_630 = arith.index_cast %parallel_loop3A_339 : i32 to index
        %parallel_loop3A_631 = arith.constant 48 : index
        %parallel_loop3A_632 = tpu.vector_load %arg7[%parallel_loop3A_628, %parallel_loop3A_629, %parallel_loop3A_630, %parallel_loop3A_631] {strides = array<i32>} : memref<2x4x200x64xf32, #tpu.memory_space<vmem>>, vector<1x1x1x16xf32>,
        %parallel_loop3A_633 = vector.shape_cast %parallel_loop3A_632 : vector<1x1x1x16xf32> to vector<16xf32>
        %parallel_loop3A_634 = arith.addf %parallel_loop3A_633, %parallel_loop3A_571 : vector<16xf32>
        %parallel_loop3A_635 = arith.constant 0 : i32
        %parallel_loop3A_636 = arith.constant 3 : i32
        %parallel_loop3A_637 = arith.index_cast %parallel_loop3A_635 : i32 to index
        %parallel_loop3A_638 = arith.index_cast %parallel_loop3A_636 : i32 to index
        %parallel_loop3A_639 = arith.index_cast %parallel_loop3A_339 : i32 to index
        %parallel_loop3A_640 = arith.constant 48 : index
        %parallel_loop3A_641 = tpu.vector_load %arg7[%parallel_loop3A_637, %parallel_loop3A_638, %parallel_loop3A_639, %parallel_loop3A_640] {strides = array<i32>} : memref<2x4x200x64xf32, #tpu.memory_space<vmem>>, vector<1x1x1x16xf32>,
        %parallel_loop3A_642 = vector.shape_cast %parallel_loop3A_641 : vector<1x1x1x16xf32> to vector<16xf32>
        %parallel_loop3A_643 = vector.shape_cast %parallel_loop3A_634 : vector<16xf32> to vector<1x1x1x16xf32>
        tpu.vector_store %arg7[%parallel_loop3A_637, %parallel_loop3A_638, %parallel_loop3A_639, %parallel_loop3A_640], %parallel_loop3A_643 {strides = array<i32>} : memref<2x4x200x64xf32, #tpu.memory_space<vmem>>, vector<1x1x1x16xf32>,
      } {sc.loop_unroll_factor = 2 : i64, sc.parallel_access}
      %mul3A_221 = arith.constant 4 : i32
      %mul3A_222 = arith.muli %mul3A_150, %mul3A_221 : i32
      %add3A_223 = arith.addi %mul3A_2, %mul3A_222 : i32
      %dma_start3A_224 = arith.constant 0 : i32
      %dma_start3A_225 = arith.constant 0 : i32
      %dma_start3A_226 = arith.constant 0 : i32
      %dma_start3A_227 = arith.constant 0 : i32
      %dma_start3A_228 = tpu.memref_slice %arg7[%dma_start3A_224, %dma_start3A_225, %dma_start3A_226, %dma_start3A_227] : memref<2x4x200x64xf32, #tpu.memory_space<vmem>> -> memref<1x4x200x64xf32, #tpu.memory_space<vmem>>
      %dma_start3A_229 = tpu.memref_squeeze %dma_start3A_228 : memref<1x4x200x64xf32, #tpu.memory_space<vmem>> -> memref<4x200x64xf32, #tpu.memory_space<vmem>>
      %dma_start3A_230 = arith.constant 0 : i32
      %dma_start3A_231 = arith.constant 0 : i32
      %dma_start3A_232 = tpu.memref_slice %arg5[%add3A_223, %dma_start3A_230, %dma_start3A_231] : memref<1024x200x64xf32, #tpu.memory_space<hbm>> -> memref<4x200x64xf32, #tpu.memory_space<hbm>>
      %dma_start3A_233 = arith.constant 0 : i32
      %dma_start3A_234 = arith.constant 0 : i32
      %dma_start3A_235 = tpu.memref_slice %arg5[%add3A_223, %dma_start3A_233, %dma_start3A_234] : memref<1024x200x64xf32, #tpu.memory_space<hbm>> -> memref<4x200x64xf32, #tpu.memory_space<hbm>>
      %dma_start3A_236 = arith.constant 0 : i32
      %dma_start3A_237 = arith.constant 0 : i32
      %dma_start3A_238 = arith.constant 0 : i32
      %dma_start3A_239 = tpu.memref_slice %arg7[%dma_start3A_224, %dma_start3A_236, %dma_start3A_237, %dma_start3A_238] : memref<2x4x200x64xf32, #tpu.memory_space<vmem>> -> memref<1x4x200x64xf32, #tpu.memory_space<vmem>>
      %dma_start3A_240 = tpu.memref_squeeze %dma_start3A_239 : memref<1x4x200x64xf32, #tpu.memory_space<vmem>> -> memref<4x200x64xf32, #tpu.memory_space<vmem>>
      tpu.enqueue_dma source(%dma_start3A_240 : memref<4x200x64xf32, #tpu.memory_space<vmem>>) target(%dma_start3A_235 : memref<4x200x64xf32, #tpu.memory_space<hbm>>) target_semaphore(%arg11 : memref<!tpu.dma_semaphore, #tpu.memory_space<semaphore_mem>>)
      %mul3A_241 = arith.constant 2 : i32
      %mul3A_242 = arith.muli %scan3A_148, %mul3A_241 : i32
      %add3A_243 = arith.constant 1 : i32
      %add3A_244 = arith.addi %mul3A_242, %add3A_243 : i32
      %add3A_245 = arith.constant 1 : i32
      %add3A_246 = arith.addi %add3A_244, %add3A_245 : i32
      %lt3A_247 = arith.constant 8 : i32
      %lt3A_248 = arith.cmpi slt, %add3A_246, %lt3A_247 : i32
      %convert_element_type3A_249 = arith.extui %lt3A_248 : i1 to i32
      %cond3A_250 = arith.constant 0 : i32
      %cond3A_251 = arith.cmpi ne, %convert_element_type3A_249, %cond3A_250 : i32
      scf.if %cond3A_251 {
        %ge3A = arith.constant 1 : i32
        %ge3A_339 = arith.cmpi sge, %add3A_244, %ge3A : i32
        %convert_element_type3A_340 = arith.extui %ge3A_339 : i1 to i32
        %cond3A_341 = arith.constant 0 : i32
        %cond3A_342 = arith.cmpi ne, %convert_element_type3A_340, %cond3A_341 : i32
        scf.if %cond3A_342 {
          %dma_wait3A_473 = arith.constant 0 : i32
          %dma_wait3A_474 = arith.constant 0 : i32
          %dma_wait3A_475 = arith.constant 0 : i32
          %dma_wait3A_476 = arith.constant 0 : i32
          %dma_wait3A_477 = tpu.memref_slice %arg7[%dma_wait3A_473, %dma_wait3A_474, %dma_wait3A_475, %dma_wait3A_476] : memref<2x4x200x64xf32, #tpu.memory_space<vmem>> -> memref<1x4x200x64xf32, #tpu.memory_space<vmem>>
          %dma_wait3A_478 = tpu.memref_squeeze %dma_wait3A_477 : memref<1x4x200x64xf32, #tpu.memory_space<vmem>> -> memref<4x200x64xf32, #tpu.memory_space<vmem>>
          %dma_wait3A_479 = arith.constant 0 : i32
          %dma_wait3A_480 = arith.constant 0 : i32
          %dma_wait3A_481 = arith.constant 0 : i32
          %dma_wait3A_482 = tpu.memref_slice %arg5[%dma_wait3A_479, %dma_wait3A_480, %dma_wait3A_481] : memref<1024x200x64xf32, #tpu.memory_space<hbm>> -> memref<4x200x64xf32, #tpu.memory_space<hbm>>
          %dma_wait3A_483 = arith.constant 0 : i32
          %dma_wait3A_484 = arith.constant 0 : i32
          %dma_wait3A_485 = arith.constant 0 : i32
          %dma_wait3A_486 = tpu.memref_slice %arg5[%dma_wait3A_483, %dma_wait3A_484, %dma_wait3A_485] : memref<1024x200x64xf32, #tpu.memory_space<hbm>> -> memref<4x200x64xf32, #tpu.memory_space<hbm>>
          %dma_wait3A_487 = arith.constant 0 : i32
          %dma_wait3A_488 = arith.constant 0 : i32
          %dma_wait3A_489 = arith.constant 0 : i32
          %dma_wait3A_490 = tpu.memref_slice %arg7[%dma_wait3A_473, %dma_wait3A_487, %dma_wait3A_488, %dma_wait3A_489] : memref<2x4x200x64xf32, #tpu.memory_space<vmem>> -> memref<1x4x200x64xf32, #tpu.memory_space<vmem>>
          %dma_wait3A_491 = tpu.memref_squeeze %dma_wait3A_490 : memref<1x4x200x64xf32, #tpu.memory_space<vmem>> -> memref<4x200x64xf32, #tpu.memory_space<vmem>>
          tpu.wait_dma2 semaphore(%arg11 : memref<!tpu.dma_semaphore, #tpu.memory_space<semaphore_mem>>) src(%dma_wait3A_491 : memref<4x200x64xf32, #tpu.memory_space<vmem>>) dst(%dma_wait3A_486 : memref<4x200x64xf32, #tpu.memory_space<hbm>>)
        } else {
        }
        %add3A_343 = arith.constant 1 : i32
        %add3A_344 = arith.addi %add3A_244, %add3A_343 : i32
        %mul3A_345 = arith.constant 4 : i32
        %mul3A_346 = arith.muli %add3A_344, %mul3A_345 : i32
        %add3A_347 = arith.constant 0 : i32
        %add3A_348 = arith.addi %mul3A_346, %add3A_347 : i32
        %dma_start3A_349 = arith.constant 0 : i32
        %dma_start3A_350 = arith.constant 0 : i32
        %dma_start3A_351 = arith.constant 0 : i32
        %dma_start3A_352 = arith.constant 0 : i32
        %dma_start3A_353 = tpu.memref_slice %arg7[%dma_start3A_349, %dma_start3A_350, %dma_start3A_351, %dma_start3A_352] : memref<2x4x200x64xf32, #tpu.memory_space<vmem>> -> memref<1x1x104x64xf32, #tpu.memory_space<vmem>>
        %dma_start3A_354 = tpu.memref_squeeze %dma_start3A_353 : memref<1x1x104x64xf32, #tpu.memory_space<vmem>> -> memref<104x64xf32, #tpu.memory_space<vmem>>
        %dma_start3A_355 = arith.constant 0 : i32
        %dma_start3A_356 = tpu.memref_slice %arg6[%add3A_348, %dma_start3A_355] : memref<32x200xi32, #tpu.memory_space<vmem>> -> memref<1x104xi32, #tpu.memory_space<vmem>>
        %dma_start3A_357 = tpu.memref_squeeze %dma_start3A_356 : memref<1x104xi32, #tpu.memory_space<vmem>> -> memref<104xi32, #tpu.memory_space<vmem>>
        %dma_start3A_358 = arith.constant 0 : i32
        %dma_start3A_359 = arith.constant 0 : i32
        %dma_start3A_360 = tpu.memref_slice %arg3[%dma_start3A_358, %dma_start3A_359] : memref<1000000x64xf32, #tpu.memory_space<hbm>> -> memref<1000000x64xf32, #tpu.memory_space<hbm>>
        tpu.enqueue_indirect_dma source(%dma_start3A_360 : memref<1000000x64xf32, #tpu.memory_space<hbm>>) target(%dma_start3A_354 : memref<104x64xf32, #tpu.memory_space<vmem>>) offsets(%dma_start3A_357 : memref<104xi32, #tpu.memory_space<vmem>>) semaphore(%arg9 : memref<!tpu.dma_semaphore, #tpu.memory_space<semaphore_mem>>)
        %mul3A_361 = arith.constant 4 : i32
        %mul3A_362 = arith.muli %add3A_344, %mul3A_361 : i32
        %add3A_363 = arith.constant 0 : i32
        %add3A_364 = arith.addi %mul3A_362, %add3A_363 : i32
        %dma_start3A_365 = arith.constant 0 : i32
        %dma_start3A_366 = arith.constant 0 : i32
        %dma_start3A_367 = arith.constant 104 : i32
        %dma_start3A_368 = arith.constant 0 : i32
        %dma_start3A_369 = tpu.memref_slice %arg7[%dma_start3A_365, %dma_start3A_366, %dma_start3A_367, %dma_start3A_368] : memref<2x4x200x64xf32, #tpu.memory_space<vmem>> -> memref<1x1x96x64xf32, #tpu.memory_space<vmem>>
        %dma_start3A_370 = tpu.memref_squeeze %dma_start3A_369 : memref<1x1x96x64xf32, #tpu.memory_space<vmem>> -> memref<96x64xf32, #tpu.memory_space<vmem>>
        %dma_start3A_371 = arith.constant 104 : i32
        %dma_start3A_372 = tpu.memref_slice %arg6[%add3A_364, %dma_start3A_371] : memref<32x200xi32, #tpu.memory_space<vmem>> -> memref<1x96xi32, #tpu.memory_space<vmem>>
        %dma_start3A_373 = tpu.memref_squeeze %dma_start3A_372 : memref<1x96xi32, #tpu.memory_space<vmem>> -> memref<96xi32, #tpu.memory_space<vmem>>
        %dma_start3A_374 = arith.constant 0 : i32
        %dma_start3A_375 = arith.constant 0 : i32
        %dma_start3A_376 = tpu.memref_slice %arg3[%dma_start3A_374, %dma_start3A_375] : memref<1000000x64xf32, #tpu.memory_space<hbm>> -> memref<1000000x64xf32, #tpu.memory_space<hbm>>
        tpu.enqueue_indirect_dma source(%dma_start3A_376 : memref<1000000x64xf32, #tpu.memory_space<hbm>>) target(%dma_start3A_370 : memref<96x64xf32, #tpu.memory_space<vmem>>) offsets(%dma_start3A_373 : memref<96xi32, #tpu.memory_space<vmem>>) semaphore(%arg9 : memref<!tpu.dma_semaphore, #tpu.memory_space<semaphore_mem>>)
        %mul3A_377 = arith.constant 4 : i32
        %mul3A_378 = arith.muli %add3A_344, %mul3A_377 : i32
        %add3A_379 = arith.constant 1 : i32
        %add3A_380 = arith.addi %mul3A_378, %add3A_379 : i32
        %dma_start3A_381 = arith.constant 0 : i32
        %dma_start3A_382 = arith.constant 1 : i32
        %dma_start3A_383 = arith.constant 0 : i32
        %dma_start3A_384 = arith.constant 0 : i32
        %dma_start3A_385 = tpu.memref_slice %arg7[%dma_start3A_381, %dma_start3A_382, %dma_start3A_383, %dma_start3A_384] : memref<2x4x200x64xf32, #tpu.memory_space<vmem>> -> memref<1x1x104x64xf32, #tpu.memory_space<vmem>>
        %dma_start3A_386 = tpu.memref_squeeze %dma_start3A_385 : memref<1x1x104x64xf32, #tpu.memory_space<vmem>> -> memref<104x64xf32, #tpu.memory_space<vmem>>
        %dma_start3A_387 = arith.constant 0 : i32
        %dma_start3A_388 = tpu.memref_slice %arg6[%add3A_380, %dma_start3A_387] : memref<32x200xi32, #tpu.memory_space<vmem>> -> memref<1x104xi32, #tpu.memory_space<vmem>>
        %dma_start3A_389 = tpu.memref_squeeze %dma_start3A_388 : memref<1x104xi32, #tpu.memory_space<vmem>> -> memref<104xi32, #tpu.memory_space<vmem>>
        %dma_start3A_390 = arith.constant 0 : i32
        %dma_start3A_391 = arith.constant 0 : i32
        %dma_start3A_392 = tpu.memref_slice %arg3[%dma_start3A_390, %dma_start3A_391] : memref<1000000x64xf32, #tpu.memory_space<hbm>> -> memref<1000000x64xf32, #tpu.memory_space<hbm>>
        tpu.enqueue_indirect_dma source(%dma_start3A_392 : memref<1000000x64xf32, #tpu.memory_space<hbm>>) target(%dma_start3A_386 : memref<104x64xf32, #tpu.memory_space<vmem>>) offsets(%dma_start3A_389 : memref<104xi32, #tpu.memory_space<vmem>>) semaphore(%arg9 : memref<!tpu.dma_semaphore, #tpu.memory_space<semaphore_mem>>)
        %mul3A_393 = arith.constant 4 : i32
        %mul3A_394 = arith.muli %add3A_344, %mul3A_393 : i32
        %add3A_395 = arith.constant 1 : i32
        %add3A_396 = arith.addi %mul3A_394, %add3A_395 : i32
        %dma_start3A_397 = arith.constant 0 : i32
        %dma_start3A_398 = arith.constant 1 : i32
        %dma_start3A_399 = arith.constant 104 : i32
        %dma_start3A_400 = arith.constant 0 : i32
        %dma_start3A_401 = tpu.memref_slice %arg7[%dma_start3A_397, %dma_start3A_398, %dma_start3A_399, %dma_start3A_400] : memref<2x4x200x64xf32, #tpu.memory_space<vmem>> -> memref<1x1x96x64xf32, #tpu.memory_space<vmem>>
        %dma_start3A_402 = tpu.memref_squeeze %dma_start3A_401 : memref<1x1x96x64xf32, #tpu.memory_space<vmem>> -> memref<96x64xf32, #tpu.memory_space<vmem>>
        %dma_start3A_403 = arith.constant 104 : i32
        %dma_start3A_404 = tpu.memref_slice %arg6[%add3A_396, %dma_start3A_403] : memref<32x200xi32, #tpu.memory_space<vmem>> -> memref<1x96xi32, #tpu.memory_space<vmem>>
        %dma_start3A_405 = tpu.memref_squeeze %dma_start3A_404 : memref<1x96xi32, #tpu.memory_space<vmem>> -> memref<96xi32, #tpu.memory_space<vmem>>
        %dma_start3A_406 = arith.constant 0 : i32
        %dma_start3A_407 = arith.constant 0 : i32
        %dma_start3A_408 = tpu.memref_slice %arg3[%dma_start3A_406, %dma_start3A_407] : memref<1000000x64xf32, #tpu.memory_space<hbm>> -> memref<1000000x64xf32, #tpu.memory_space<hbm>>
        tpu.enqueue_indirect_dma source(%dma_start3A_408 : memref<1000000x64xf32, #tpu.memory_space<hbm>>) target(%dma_start3A_402 : memref<96x64xf32, #tpu.memory_space<vmem>>) offsets(%dma_start3A_405 : memref<96xi32, #tpu.memory_space<vmem>>) semaphore(%arg9 : memref<!tpu.dma_semaphore, #tpu.memory_space<semaphore_mem>>)
        %mul3A_409 = arith.constant 4 : i32
        %mul3A_410 = arith.muli %add3A_344, %mul3A_409 : i32
        %add3A_411 = arith.constant 2 : i32
        %add3A_412 = arith.addi %mul3A_410, %add3A_411 : i32
        %dma_start3A_413 = arith.constant 0 : i32
        %dma_start3A_414 = arith.constant 2 : i32
        %dma_start3A_415 = arith.constant 0 : i32
        %dma_start3A_416 = arith.constant 0 : i32
        %dma_start3A_417 = tpu.memref_slice %arg7[%dma_start3A_413, %dma_start3A_414, %dma_start3A_415, %dma_start3A_416] : memref<2x4x200x64xf32, #tpu.memory_space<vmem>> -> memref<1x1x104x64xf32, #tpu.memory_space<vmem>>
        %dma_start3A_418 = tpu.memref_squeeze %dma_start3A_417 : memref<1x1x104x64xf32, #tpu.memory_space<vmem>> -> memref<104x64xf32, #tpu.memory_space<vmem>>
        %dma_start3A_419 = arith.constant 0 : i32
        %dma_start3A_420 = tpu.memref_slice %arg6[%add3A_412, %dma_start3A_419] : memref<32x200xi32, #tpu.memory_space<vmem>> -> memref<1x104xi32, #tpu.memory_space<vmem>>
        %dma_start3A_421 = tpu.memref_squeeze %dma_start3A_420 : memref<1x104xi32, #tpu.memory_space<vmem>> -> memref<104xi32, #tpu.memory_space<vmem>>
        %dma_start3A_422 = arith.constant 0 : i32
        %dma_start3A_423 = arith.constant 0 : i32
        %dma_start3A_424 = tpu.memref_slice %arg3[%dma_start3A_422, %dma_start3A_423] : memref<1000000x64xf32, #tpu.memory_space<hbm>> -> memref<1000000x64xf32, #tpu.memory_space<hbm>>
        tpu.enqueue_indirect_dma source(%dma_start3A_424 : memref<1000000x64xf32, #tpu.memory_space<hbm>>) target(%dma_start3A_418 : memref<104x64xf32, #tpu.memory_space<vmem>>) offsets(%dma_start3A_421 : memref<104xi32, #tpu.memory_space<vmem>>) semaphore(%arg9 : memref<!tpu.dma_semaphore, #tpu.memory_space<semaphore_mem>>)
        %mul3A_425 = arith.constant 4 : i32
        %mul3A_426 = arith.muli %add3A_344, %mul3A_425 : i32
        %add3A_427 = arith.constant 2 : i32
        %add3A_428 = arith.addi %mul3A_426, %add3A_427 : i32
        %dma_start3A_429 = arith.constant 0 : i32
        %dma_start3A_430 = arith.constant 2 : i32
        %dma_start3A_431 = arith.constant 104 : i32
        %dma_start3A_432 = arith.constant 0 : i32
        %dma_start3A_433 = tpu.memref_slice %arg7[%dma_start3A_429, %dma_start3A_430, %dma_start3A_431, %dma_start3A_432] : memref<2x4x200x64xf32, #tpu.memory_space<vmem>> -> memref<1x1x96x64xf32, #tpu.memory_space<vmem>>
        %dma_start3A_434 = tpu.memref_squeeze %dma_start3A_433 : memref<1x1x96x64xf32, #tpu.memory_space<vmem>> -> memref<96x64xf32, #tpu.memory_space<vmem>>
        %dma_start3A_435 = arith.constant 104 : i32
        %dma_start3A_436 = tpu.memref_slice %arg6[%add3A_428, %dma_start3A_435] : memref<32x200xi32, #tpu.memory_space<vmem>> -> memref<1x96xi32, #tpu.memory_space<vmem>>
        %dma_start3A_437 = tpu.memref_squeeze %dma_start3A_436 : memref<1x96xi32, #tpu.memory_space<vmem>> -> memref<96xi32, #tpu.memory_space<vmem>>
        %dma_start3A_438 = arith.constant 0 : i32
        %dma_start3A_439 = arith.constant 0 : i32
        %dma_start3A_440 = tpu.memref_slice %arg3[%dma_start3A_438, %dma_start3A_439] : memref<1000000x64xf32, #tpu.memory_space<hbm>> -> memref<1000000x64xf32, #tpu.memory_space<hbm>>
        tpu.enqueue_indirect_dma source(%dma_start3A_440 : memref<1000000x64xf32, #tpu.memory_space<hbm>>) target(%dma_start3A_434 : memref<96x64xf32, #tpu.memory_space<vmem>>) offsets(%dma_start3A_437 : memref<96xi32, #tpu.memory_space<vmem>>) semaphore(%arg9 : memref<!tpu.dma_semaphore, #tpu.memory_space<semaphore_mem>>)
        %mul3A_441 = arith.constant 4 : i32
        %mul3A_442 = arith.muli %add3A_344, %mul3A_441 : i32
        %add3A_443 = arith.constant 3 : i32
        %add3A_444 = arith.addi %mul3A_442, %add3A_443 : i32
        %dma_start3A_445 = arith.constant 0 : i32
        %dma_start3A_446 = arith.constant 3 : i32
        %dma_start3A_447 = arith.constant 0 : i32
        %dma_start3A_448 = arith.constant 0 : i32
        %dma_start3A_449 = tpu.memref_slice %arg7[%dma_start3A_445, %dma_start3A_446, %dma_start3A_447, %dma_start3A_448] : memref<2x4x200x64xf32, #tpu.memory_space<vmem>> -> memref<1x1x104x64xf32, #tpu.memory_space<vmem>>
        %dma_start3A_450 = tpu.memref_squeeze %dma_start3A_449 : memref<1x1x104x64xf32, #tpu.memory_space<vmem>> -> memref<104x64xf32, #tpu.memory_space<vmem>>
        %dma_start3A_451 = arith.constant 0 : i32
        %dma_start3A_452 = tpu.memref_slice %arg6[%add3A_444, %dma_start3A_451] : memref<32x200xi32, #tpu.memory_space<vmem>> -> memref<1x104xi32, #tpu.memory_space<vmem>>
        %dma_start3A_453 = tpu.memref_squeeze %dma_start3A_452 : memref<1x104xi32, #tpu.memory_space<vmem>> -> memref<104xi32, #tpu.memory_space<vmem>>
        %dma_start3A_454 = arith.constant 0 : i32
        %dma_start3A_455 = arith.constant 0 : i32
        %dma_start3A_456 = tpu.memref_slice %arg3[%dma_start3A_454, %dma_start3A_455] : memref<1000000x64xf32, #tpu.memory_space<hbm>> -> memref<1000000x64xf32, #tpu.memory_space<hbm>>
        tpu.enqueue_indirect_dma source(%dma_start3A_456 : memref<1000000x64xf32, #tpu.memory_space<hbm>>) target(%dma_start3A_450 : memref<104x64xf32, #tpu.memory_space<vmem>>) offsets(%dma_start3A_453 : memref<104xi32, #tpu.memory_space<vmem>>) semaphore(%arg9 : memref<!tpu.dma_semaphore, #tpu.memory_space<semaphore_mem>>)
        %mul3A_457 = arith.constant 4 : i32
        %mul3A_458 = arith.muli %add3A_344, %mul3A_457 : i32
        %add3A_459 = arith.constant 3 : i32
        %add3A_460 = arith.addi %mul3A_458, %add3A_459 : i32
        %dma_start3A_461 = arith.constant 0 : i32
        %dma_start3A_462 = arith.constant 3 : i32
        %dma_start3A_463 = arith.constant 104 : i32
        %dma_start3A_464 = arith.constant 0 : i32
        %dma_start3A_465 = tpu.memref_slice %arg7[%dma_start3A_461, %dma_start3A_462, %dma_start3A_463, %dma_start3A_464] : memref<2x4x200x64xf32, #tpu.memory_space<vmem>> -> memref<1x1x96x64xf32, #tpu.memory_space<vmem>>
        %dma_start3A_466 = tpu.memref_squeeze %dma_start3A_465 : memref<1x1x96x64xf32, #tpu.memory_space<vmem>> -> memref<96x64xf32, #tpu.memory_space<vmem>>
        %dma_start3A_467 = arith.constant 104 : i32
        %dma_start3A_468 = tpu.memref_slice %arg6[%add3A_460, %dma_start3A_467] : memref<32x200xi32, #tpu.memory_space<vmem>> -> memref<1x96xi32, #tpu.memory_space<vmem>>
        %dma_start3A_469 = tpu.memref_squeeze %dma_start3A_468 : memref<1x96xi32, #tpu.memory_space<vmem>> -> memref<96xi32, #tpu.memory_space<vmem>>
        %dma_start3A_470 = arith.constant 0 : i32
        %dma_start3A_471 = arith.constant 0 : i32
        %dma_start3A_472 = tpu.memref_slice %arg3[%dma_start3A_470, %dma_start3A_471] : memref<1000000x64xf32, #tpu.memory_space<hbm>> -> memref<1000000x64xf32, #tpu.memory_space<hbm>>
        tpu.enqueue_indirect_dma source(%dma_start3A_472 : memref<1000000x64xf32, #tpu.memory_space<hbm>>) target(%dma_start3A_466 : memref<96x64xf32, #tpu.memory_space<vmem>>) offsets(%dma_start3A_469 : memref<96xi32, #tpu.memory_space<vmem>>) semaphore(%arg9 : memref<!tpu.dma_semaphore, #tpu.memory_space<semaphore_mem>>)
      } else {
      }
      %dma_wait3A_252 = arith.constant 1 : i32
      %dma_wait3A_253 = arith.constant 0 : i32
      %dma_wait3A_254 = arith.constant 0 : i32
      %dma_wait3A_255 = arith.constant 0 : i32
      %dma_wait3A_256 = tpu.memref_slice %arg7[%dma_wait3A_252, %dma_wait3A_253, %dma_wait3A_254, %dma_wait3A_255] : memref<2x4x200x64xf32, #tpu.memory_space<vmem>> -> memref<1x1x200x64xf32, #tpu.memory_space<vmem>>
      %dma_wait3A_257 = tpu.memref_squeeze %dma_wait3A_256 : memref<1x1x200x64xf32, #tpu.memory_space<vmem>> -> memref<200x64xf32, #tpu.memory_space<vmem>>
      %dma_wait3A_258 = arith.constant 0 : i32
      %dma_wait3A_259 = arith.constant 0 : i32
      %dma_wait3A_260 = tpu.memref_slice %arg3[%dma_wait3A_258, %dma_wait3A_259] : memref<1000000x64xf32, #tpu.memory_space<hbm>> -> memref<200x64xf32, #tpu.memory_space<hbm>>
      %dma_wait3A_261 = arith.constant 0 : i32
      %dma_wait3A_262 = arith.constant 0 : i32
      %dma_wait3A_263 = tpu.memref_slice %arg7[%dma_wait3A_252, %dma_wait3A_253, %dma_wait3A_261, %dma_wait3A_262] : memref<2x4x200x64xf32, #tpu.memory_space<vmem>> -> memref<1x1x200x64xf32, #tpu.memory_space<vmem>>
      %dma_wait3A_264 = tpu.memref_squeeze %dma_wait3A_263 : memref<1x1x200x64xf32, #tpu.memory_space<vmem>> -> memref<200x64xf32, #tpu.memory_space<vmem>>
      %dma_wait3A_265 = arith.constant 0 : i32
      %dma_wait3A_266 = arith.constant 0 : i32
      %dma_wait3A_267 = tpu.memref_slice %arg3[%dma_wait3A_265, %dma_wait3A_266] : memref<1000000x64xf32, #tpu.memory_space<hbm>> -> memref<200x64xf32, #tpu.memory_space<hbm>>
      tpu.wait_dma2 semaphore(%arg10 : memref<!tpu.dma_semaphore, #tpu.memory_space<semaphore_mem>>) src(%dma_wait3A_267 : memref<200x64xf32, #tpu.memory_space<hbm>>) dst(%dma_wait3A_264 : memref<200x64xf32, #tpu.memory_space<vmem>>)
      %dma_wait3A_268 = arith.constant 1 : i32
      %dma_wait3A_269 = arith.constant 1 : i32
      %dma_wait3A_270 = arith.constant 0 : i32
      %dma_wait3A_271 = arith.constant 0 : i32
      %dma_wait3A_272 = tpu.memref_slice %arg7[%dma_wait3A_268, %dma_wait3A_269, %dma_wait3A_270, %dma_wait3A_271] : memref<2x4x200x64xf32, #tpu.memory_space<vmem>> -> memref<1x1x200x64xf32, #tpu.memory_space<vmem>>
      %dma_wait3A_273 = tpu.memref_squeeze %dma_wait3A_272 : memref<1x1x200x64xf32, #tpu.memory_space<vmem>> -> memref<200x64xf32, #tpu.memory_space<vmem>>
      %dma_wait3A_274 = arith.constant 0 : i32
      %dma_wait3A_275 = arith.constant 0 : i32
      %dma_wait3A_276 = tpu.memref_slice %arg3[%dma_wait3A_274, %dma_wait3A_275] : memref<1000000x64xf32, #tpu.memory_space<hbm>> -> memref<200x64xf32, #tpu.memory_space<hbm>>
      %dma_wait3A_277 = arith.constant 0 : i32
      %dma_wait3A_278 = arith.constant 0 : i32
      %dma_wait3A_279 = tpu.memref_slice %arg7[%dma_wait3A_268, %dma_wait3A_269, %dma_wait3A_277, %dma_wait3A_278] : memref<2x4x200x64xf32, #tpu.memory_space<vmem>> -> memref<1x1x200x64xf32, #tpu.memory_space<vmem>>
      %dma_wait3A_280 = tpu.memref_squeeze %dma_wait3A_279 : memref<1x1x200x64xf32, #tpu.memory_space<vmem>> -> memref<200x64xf32, #tpu.memory_space<vmem>>
      %dma_wait3A_281 = arith.constant 0 : i32
      %dma_wait3A_282 = arith.constant 0 : i32
      %dma_wait3A_283 = tpu.memref_slice %arg3[%dma_wait3A_281, %dma_wait3A_282] : memref<1000000x64xf32, #tpu.memory_space<hbm>> -> memref<200x64xf32, #tpu.memory_space<hbm>>
      tpu.wait_dma2 semaphore(%arg10 : memref<!tpu.dma_semaphore, #tpu.memory_space<semaphore_mem>>) src(%dma_wait3A_283 : memref<200x64xf32, #tpu.memory_space<hbm>>) dst(%dma_wait3A_280 : memref<200x64xf32, #tpu.memory_space<vmem>>)
      %dma_wait3A_284 = arith.constant 1 : i32
      %dma_wait3A_285 = arith.constant 2 : i32
      %dma_wait3A_286 = arith.constant 0 : i32
      %dma_wait3A_287 = arith.constant 0 : i32
      %dma_wait3A_288 = tpu.memref_slice %arg7[%dma_wait3A_284, %dma_wait3A_285, %dma_wait3A_286, %dma_wait3A_287] : memref<2x4x200x64xf32, #tpu.memory_space<vmem>> -> memref<1x1x200x64xf32, #tpu.memory_space<vmem>>
      %dma_wait3A_289 = tpu.memref_squeeze %dma_wait3A_288 : memref<1x1x200x64xf32, #tpu.memory_space<vmem>> -> memref<200x64xf32, #tpu.memory_space<vmem>>
      %dma_wait3A_290 = arith.constant 0 : i32
      %dma_wait3A_291 = arith.constant 0 : i32
      %dma_wait3A_292 = tpu.memref_slice %arg3[%dma_wait3A_290, %dma_wait3A_291] : memref<1000000x64xf32, #tpu.memory_space<hbm>> -> memref<200x64xf32, #tpu.memory_space<hbm>>
      %dma_wait3A_293 = arith.constant 0 : i32
      %dma_wait3A_294 = arith.constant 0 : i32
      %dma_wait3A_295 = tpu.memref_slice %arg7[%dma_wait3A_284, %dma_wait3A_285, %dma_wait3A_293, %dma_wait3A_294] : memref<2x4x200x64xf32, #tpu.memory_space<vmem>> -> memref<1x1x200x64xf32, #tpu.memory_space<vmem>>
      %dma_wait3A_296 = tpu.memref_squeeze %dma_wait3A_295 : memref<1x1x200x64xf32, #tpu.memory_space<vmem>> -> memref<200x64xf32, #tpu.memory_space<vmem>>
      %dma_wait3A_297 = arith.constant 0 : i32
      %dma_wait3A_298 = arith.constant 0 : i32
      %dma_wait3A_299 = tpu.memref_slice %arg3[%dma_wait3A_297, %dma_wait3A_298] : memref<1000000x64xf32, #tpu.memory_space<hbm>> -> memref<200x64xf32, #tpu.memory_space<hbm>>
      tpu.wait_dma2 semaphore(%arg10 : memref<!tpu.dma_semaphore, #tpu.memory_space<semaphore_mem>>) src(%dma_wait3A_299 : memref<200x64xf32, #tpu.memory_space<hbm>>) dst(%dma_wait3A_296 : memref<200x64xf32, #tpu.memory_space<vmem>>)
      %dma_wait3A_300 = arith.constant 1 : i32
      %dma_wait3A_301 = arith.constant 3 : i32
      %dma_wait3A_302 = arith.constant 0 : i32
      %dma_wait3A_303 = arith.constant 0 : i32
      %dma_wait3A_304 = tpu.memref_slice %arg7[%dma_wait3A_300, %dma_wait3A_301, %dma_wait3A_302, %dma_wait3A_303] : memref<2x4x200x64xf32, #tpu.memory_space<vmem>> -> memref<1x1x200x64xf32, #tpu.memory_space<vmem>>
      %dma_wait3A_305 = tpu.memref_squeeze %dma_wait3A_304 : memref<1x1x200x64xf32, #tpu.memory_space<vmem>> -> memref<200x64xf32, #tpu.memory_space<vmem>>
      %dma_wait3A_306 = arith.constant 0 : i32
      %dma_wait3A_307 = arith.constant 0 : i32
      %dma_wait3A_308 = tpu.memref_slice %arg3[%dma_wait3A_306, %dma_wait3A_307] : memref<1000000x64xf32, #tpu.memory_space<hbm>> -> memref<200x64xf32, #tpu.memory_space<hbm>>
      %dma_wait3A_309 = arith.constant 0 : i32
      %dma_wait3A_310 = arith.constant 0 : i32
      %dma_wait3A_311 = tpu.memref_slice %arg7[%dma_wait3A_300, %dma_wait3A_301, %dma_wait3A_309, %dma_wait3A_310] : memref<2x4x200x64xf32, #tpu.memory_space<vmem>> -> memref<1x1x200x64xf32, #tpu.memory_space<vmem>>
      %dma_wait3A_312 = tpu.memref_squeeze %dma_wait3A_311 : memref<1x1x200x64xf32, #tpu.memory_space<vmem>> -> memref<200x64xf32, #tpu.memory_space<vmem>>
      %dma_wait3A_313 = arith.constant 0 : i32
      %dma_wait3A_314 = arith.constant 0 : i32
      %dma_wait3A_315 = tpu.memref_slice %arg3[%dma_wait3A_313, %dma_wait3A_314] : memref<1000000x64xf32, #tpu.memory_space<hbm>> -> memref<200x64xf32, #tpu.memory_space<hbm>>
      tpu.wait_dma2 semaphore(%arg10 : memref<!tpu.dma_semaphore, #tpu.memory_space<semaphore_mem>>) src(%dma_wait3A_315 : memref<200x64xf32, #tpu.memory_space<hbm>>) dst(%dma_wait3A_312 : memref<200x64xf32, #tpu.memory_space<vmem>>)
      %parallel_loop3A_316 = arith.constant 0 : i32
      %parallel_loop3A_317 = arith.constant 200 : i32
      %parallel_loop3A_318 = arith.constant 1 : i32
      scf.for %parallel_loop3A_339 = %parallel_loop3A_316 to %parallel_loop3A_317 step %parallel_loop3A_318  : i32 {
        %parallel_loop3A_340 = arith.index_cast %parallel_loop3A_339 : i32 to index
        %parallel_loop3A_341 = arith.constant 0 : index
        %parallel_loop3A_342 = tpu.vector_load %arg8[%parallel_loop3A_340, %parallel_loop3A_341] {strides = array<i32>} : memref<200x64xf32, #tpu.memory_space<vmem>>, vector<1x16xf32>,
        %parallel_loop3A_343 = vector.shape_cast %parallel_loop3A_342 : vector<1x16xf32> to vector<16xf32>
        %parallel_loop3A_344 = arith.constant 1 : i32
        %parallel_loop3A_345 = arith.constant 0 : i32
        %parallel_loop3A_346 = arith.index_cast %parallel_loop3A_344 : i32 to index
        %parallel_loop3A_347 = arith.index_cast %parallel_loop3A_345 : i32 to index
        %parallel_loop3A_348 = arith.index_cast %parallel_loop3A_339 : i32 to index
        %parallel_loop3A_349 = arith.constant 0 : index
        %parallel_loop3A_350 = tpu.vector_load %arg7[%parallel_loop3A_346, %parallel_loop3A_347, %parallel_loop3A_348, %parallel_loop3A_349] {strides = array<i32>} : memref<2x4x200x64xf32, #tpu.memory_space<vmem>>, vector<1x1x1x16xf32>,
        %parallel_loop3A_351 = vector.shape_cast %parallel_loop3A_350 : vector<1x1x1x16xf32> to vector<16xf32>
        %parallel_loop3A_352 = arith.addf %parallel_loop3A_351, %parallel_loop3A_343 : vector<16xf32>
        %parallel_loop3A_353 = arith.constant 1 : i32
        %parallel_loop3A_354 = arith.constant 0 : i32
        %parallel_loop3A_355 = arith.index_cast %parallel_loop3A_353 : i32 to index
        %parallel_loop3A_356 = arith.index_cast %parallel_loop3A_354 : i32 to index
        %parallel_loop3A_357 = arith.index_cast %parallel_loop3A_339 : i32 to index
        %parallel_loop3A_358 = arith.constant 0 : index
        %parallel_loop3A_359 = tpu.vector_load %arg7[%parallel_loop3A_355, %parallel_loop3A_356, %parallel_loop3A_357, %parallel_loop3A_358] {strides = array<i32>} : memref<2x4x200x64xf32, #tpu.memory_space<vmem>>, vector<1x1x1x16xf32>,
        %parallel_loop3A_360 = vector.shape_cast %parallel_loop3A_359 : vector<1x1x1x16xf32> to vector<16xf32>
        %parallel_loop3A_361 = vector.shape_cast %parallel_loop3A_352 : vector<16xf32> to vector<1x1x1x16xf32>
        tpu.vector_store %arg7[%parallel_loop3A_355, %parallel_loop3A_356, %parallel_loop3A_357, %parallel_loop3A_358], %parallel_loop3A_361 {strides = array<i32>} : memref<2x4x200x64xf32, #tpu.memory_space<vmem>>, vector<1x1x1x16xf32>,
        %parallel_loop3A_362 = arith.constant 1 : i32
        %parallel_loop3A_363 = arith.constant 1 : i32
        %parallel_loop3A_364 = arith.index_cast %parallel_loop3A_362 : i32 to index
        %parallel_loop3A_365 = arith.index_cast %parallel_loop3A_363 : i32 to index
        %parallel_loop3A_366 = arith.index_cast %parallel_loop3A_339 : i32 to index
        %parallel_loop3A_367 = arith.constant 0 : index
        %parallel_loop3A_368 = tpu.vector_load %arg7[%parallel_loop3A_364, %parallel_loop3A_365, %parallel_loop3A_366, %parallel_loop3A_367] {strides = array<i32>} : memref<2x4x200x64xf32, #tpu.memory_space<vmem>>, vector<1x1x1x16xf32>,
        %parallel_loop3A_369 = vector.shape_cast %parallel_loop3A_368 : vector<1x1x1x16xf32> to vector<16xf32>
        %parallel_loop3A_370 = arith.addf %parallel_loop3A_369, %parallel_loop3A_343 : vector<16xf32>
        %parallel_loop3A_371 = arith.constant 1 : i32
        %parallel_loop3A_372 = arith.constant 1 : i32
        %parallel_loop3A_373 = arith.index_cast %parallel_loop3A_371 : i32 to index
        %parallel_loop3A_374 = arith.index_cast %parallel_loop3A_372 : i32 to index
        %parallel_loop3A_375 = arith.index_cast %parallel_loop3A_339 : i32 to index
        %parallel_loop3A_376 = arith.constant 0 : index
        %parallel_loop3A_377 = tpu.vector_load %arg7[%parallel_loop3A_373, %parallel_loop3A_374, %parallel_loop3A_375, %parallel_loop3A_376] {strides = array<i32>} : memref<2x4x200x64xf32, #tpu.memory_space<vmem>>, vector<1x1x1x16xf32>,
        %parallel_loop3A_378 = vector.shape_cast %parallel_loop3A_377 : vector<1x1x1x16xf32> to vector<16xf32>
        %parallel_loop3A_379 = vector.shape_cast %parallel_loop3A_370 : vector<16xf32> to vector<1x1x1x16xf32>
        tpu.vector_store %arg7[%parallel_loop3A_373, %parallel_loop3A_374, %parallel_loop3A_375, %parallel_loop3A_376], %parallel_loop3A_379 {strides = array<i32>} : memref<2x4x200x64xf32, #tpu.memory_space<vmem>>, vector<1x1x1x16xf32>,
        %parallel_loop3A_380 = arith.constant 1 : i32
        %parallel_loop3A_381 = arith.constant 2 : i32
        %parallel_loop3A_382 = arith.index_cast %parallel_loop3A_380 : i32 to index
        %parallel_loop3A_383 = arith.index_cast %parallel_loop3A_381 : i32 to index
        %parallel_loop3A_384 = arith.index_cast %parallel_loop3A_339 : i32 to index
        %parallel_loop3A_385 = arith.constant 0 : index
        %parallel_loop3A_386 = tpu.vector_load %arg7[%parallel_loop3A_382, %parallel_loop3A_383, %parallel_loop3A_384, %parallel_loop3A_385] {strides = array<i32>} : memref<2x4x200x64xf32, #tpu.memory_space<vmem>>, vector<1x1x1x16xf32>,
        %parallel_loop3A_387 = vector.shape_cast %parallel_loop3A_386 : vector<1x1x1x16xf32> to vector<16xf32>
        %parallel_loop3A_388 = arith.addf %parallel_loop3A_387, %parallel_loop3A_343 : vector<16xf32>
        %parallel_loop3A_389 = arith.constant 1 : i32
        %parallel_loop3A_390 = arith.constant 2 : i32
        %parallel_loop3A_391 = arith.index_cast %parallel_loop3A_389 : i32 to index
        %parallel_loop3A_392 = arith.index_cast %parallel_loop3A_390 : i32 to index
        %parallel_loop3A_393 = arith.index_cast %parallel_loop3A_339 : i32 to index
        %parallel_loop3A_394 = arith.constant 0 : index
        %parallel_loop3A_395 = tpu.vector_load %arg7[%parallel_loop3A_391, %parallel_loop3A_392, %parallel_loop3A_393, %parallel_loop3A_394] {strides = array<i32>} : memref<2x4x200x64xf32, #tpu.memory_space<vmem>>, vector<1x1x1x16xf32>,
        %parallel_loop3A_396 = vector.shape_cast %parallel_loop3A_395 : vector<1x1x1x16xf32> to vector<16xf32>
        %parallel_loop3A_397 = vector.shape_cast %parallel_loop3A_388 : vector<16xf32> to vector<1x1x1x16xf32>
        tpu.vector_store %arg7[%parallel_loop3A_391, %parallel_loop3A_392, %parallel_loop3A_393, %parallel_loop3A_394], %parallel_loop3A_397 {strides = array<i32>} : memref<2x4x200x64xf32, #tpu.memory_space<vmem>>, vector<1x1x1x16xf32>,
        %parallel_loop3A_398 = arith.constant 1 : i32
        %parallel_loop3A_399 = arith.constant 3 : i32
        %parallel_loop3A_400 = arith.index_cast %parallel_loop3A_398 : i32 to index
        %parallel_loop3A_401 = arith.index_cast %parallel_loop3A_399 : i32 to index
        %parallel_loop3A_402 = arith.index_cast %parallel_loop3A_339 : i32 to index
        %parallel_loop3A_403 = arith.constant 0 : index
        %parallel_loop3A_404 = tpu.vector_load %arg7[%parallel_loop3A_400, %parallel_loop3A_401, %parallel_loop3A_402, %parallel_loop3A_403] {strides = array<i32>} : memref<2x4x200x64xf32, #tpu.memory_space<vmem>>, vector<1x1x1x16xf32>,
        %parallel_loop3A_405 = vector.shape_cast %parallel_loop3A_404 : vector<1x1x1x16xf32> to vector<16xf32>
        %parallel_loop3A_406 = arith.addf %parallel_loop3A_405, %parallel_loop3A_343 : vector<16xf32>
        %parallel_loop3A_407 = arith.constant 1 : i32
        %parallel_loop3A_408 = arith.constant 3 : i32
        %parallel_loop3A_409 = arith.index_cast %parallel_loop3A_407 : i32 to index
        %parallel_loop3A_410 = arith.index_cast %parallel_loop3A_408 : i32 to index
        %parallel_loop3A_411 = arith.index_cast %parallel_loop3A_339 : i32 to index
        %parallel_loop3A_412 = arith.constant 0 : index
        %parallel_loop3A_413 = tpu.vector_load %arg7[%parallel_loop3A_409, %parallel_loop3A_410, %parallel_loop3A_411, %parallel_loop3A_412] {strides = array<i32>} : memref<2x4x200x64xf32, #tpu.memory_space<vmem>>, vector<1x1x1x16xf32>,
        %parallel_loop3A_414 = vector.shape_cast %parallel_loop3A_413 : vector<1x1x1x16xf32> to vector<16xf32>
        %parallel_loop3A_415 = vector.shape_cast %parallel_loop3A_406 : vector<16xf32> to vector<1x1x1x16xf32>
        tpu.vector_store %arg7[%parallel_loop3A_409, %parallel_loop3A_410, %parallel_loop3A_411, %parallel_loop3A_412], %parallel_loop3A_415 {strides = array<i32>} : memref<2x4x200x64xf32, #tpu.memory_space<vmem>>, vector<1x1x1x16xf32>,
        %parallel_loop3A_416 = arith.index_cast %parallel_loop3A_339 : i32 to index
        %parallel_loop3A_417 = arith.constant 16 : index
        %parallel_loop3A_418 = tpu.vector_load %arg8[%parallel_loop3A_416, %parallel_loop3A_417] {strides = array<i32>} : memref<200x64xf32, #tpu.memory_space<vmem>>, vector<1x16xf32>,
        %parallel_loop3A_419 = vector.shape_cast %parallel_loop3A_418 : vector<1x16xf32> to vector<16xf32>
        %parallel_loop3A_420 = arith.constant 1 : i32
        %parallel_loop3A_421 = arith.constant 0 : i32
        %parallel_loop3A_422 = arith.index_cast %parallel_loop3A_420 : i32 to index
        %parallel_loop3A_423 = arith.index_cast %parallel_loop3A_421 : i32 to index
        %parallel_loop3A_424 = arith.index_cast %parallel_loop3A_339 : i32 to index
        %parallel_loop3A_425 = arith.constant 16 : index
        %parallel_loop3A_426 = tpu.vector_load %arg7[%parallel_loop3A_422, %parallel_loop3A_423, %parallel_loop3A_424, %parallel_loop3A_425] {strides = array<i32>} : memref<2x4x200x64xf32, #tpu.memory_space<vmem>>, vector<1x1x1x16xf32>,
        %parallel_loop3A_427 = vector.shape_cast %parallel_loop3A_426 : vector<1x1x1x16xf32> to vector<16xf32>
        %parallel_loop3A_428 = arith.addf %parallel_loop3A_427, %parallel_loop3A_419 : vector<16xf32>
        %parallel_loop3A_429 = arith.constant 1 : i32
        %parallel_loop3A_430 = arith.constant 0 : i32
        %parallel_loop3A_431 = arith.index_cast %parallel_loop3A_429 : i32 to index
        %parallel_loop3A_432 = arith.index_cast %parallel_loop3A_430 : i32 to index
        %parallel_loop3A_433 = arith.index_cast %parallel_loop3A_339 : i32 to index
        %parallel_loop3A_434 = arith.constant 16 : index
        %parallel_loop3A_435 = tpu.vector_load %arg7[%parallel_loop3A_431, %parallel_loop3A_432, %parallel_loop3A_433, %parallel_loop3A_434] {strides = array<i32>} : memref<2x4x200x64xf32, #tpu.memory_space<vmem>>, vector<1x1x1x16xf32>,
        %parallel_loop3A_436 = vector.shape_cast %parallel_loop3A_435 : vector<1x1x1x16xf32> to vector<16xf32>
        %parallel_loop3A_437 = vector.shape_cast %parallel_loop3A_428 : vector<16xf32> to vector<1x1x1x16xf32>
        tpu.vector_store %arg7[%parallel_loop3A_431, %parallel_loop3A_432, %parallel_loop3A_433, %parallel_loop3A_434], %parallel_loop3A_437 {strides = array<i32>} : memref<2x4x200x64xf32, #tpu.memory_space<vmem>>, vector<1x1x1x16xf32>,
        %parallel_loop3A_438 = arith.constant 1 : i32
        %parallel_loop3A_439 = arith.constant 1 : i32
        %parallel_loop3A_440 = arith.index_cast %parallel_loop3A_438 : i32 to index
        %parallel_loop3A_441 = arith.index_cast %parallel_loop3A_439 : i32 to index
        %parallel_loop3A_442 = arith.index_cast %parallel_loop3A_339 : i32 to index
        %parallel_loop3A_443 = arith.constant 16 : index
        %parallel_loop3A_444 = tpu.vector_load %arg7[%parallel_loop3A_440, %parallel_loop3A_441, %parallel_loop3A_442, %parallel_loop3A_443] {strides = array<i32>} : memref<2x4x200x64xf32, #tpu.memory_space<vmem>>, vector<1x1x1x16xf32>,
        %parallel_loop3A_445 = vector.shape_cast %parallel_loop3A_444 : vector<1x1x1x16xf32> to vector<16xf32>
        %parallel_loop3A_446 = arith.addf %parallel_loop3A_445, %parallel_loop3A_419 : vector<16xf32>
        %parallel_loop3A_447 = arith.constant 1 : i32
        %parallel_loop3A_448 = arith.constant 1 : i32
        %parallel_loop3A_449 = arith.index_cast %parallel_loop3A_447 : i32 to index
        %parallel_loop3A_450 = arith.index_cast %parallel_loop3A_448 : i32 to index
        %parallel_loop3A_451 = arith.index_cast %parallel_loop3A_339 : i32 to index
        %parallel_loop3A_452 = arith.constant 16 : index
        %parallel_loop3A_453 = tpu.vector_load %arg7[%parallel_loop3A_449, %parallel_loop3A_450, %parallel_loop3A_451, %parallel_loop3A_452] {strides = array<i32>} : memref<2x4x200x64xf32, #tpu.memory_space<vmem>>, vector<1x1x1x16xf32>,
        %parallel_loop3A_454 = vector.shape_cast %parallel_loop3A_453 : vector<1x1x1x16xf32> to vector<16xf32>
        %parallel_loop3A_455 = vector.shape_cast %parallel_loop3A_446 : vector<16xf32> to vector<1x1x1x16xf32>
        tpu.vector_store %arg7[%parallel_loop3A_449, %parallel_loop3A_450, %parallel_loop3A_451, %parallel_loop3A_452], %parallel_loop3A_455 {strides = array<i32>} : memref<2x4x200x64xf32, #tpu.memory_space<vmem>>, vector<1x1x1x16xf32>,
        %parallel_loop3A_456 = arith.constant 1 : i32
        %parallel_loop3A_457 = arith.constant 2 : i32
        %parallel_loop3A_458 = arith.index_cast %parallel_loop3A_456 : i32 to index
        %parallel_loop3A_459 = arith.index_cast %parallel_loop3A_457 : i32 to index
        %parallel_loop3A_460 = arith.index_cast %parallel_loop3A_339 : i32 to index
        %parallel_loop3A_461 = arith.constant 16 : index
        %parallel_loop3A_462 = tpu.vector_load %arg7[%parallel_loop3A_458, %parallel_loop3A_459, %parallel_loop3A_460, %parallel_loop3A_461] {strides = array<i32>} : memref<2x4x200x64xf32, #tpu.memory_space<vmem>>, vector<1x1x1x16xf32>,
        %parallel_loop3A_463 = vector.shape_cast %parallel_loop3A_462 : vector<1x1x1x16xf32> to vector<16xf32>
        %parallel_loop3A_464 = arith.addf %parallel_loop3A_463, %parallel_loop3A_419 : vector<16xf32>
        %parallel_loop3A_465 = arith.constant 1 : i32
        %parallel_loop3A_466 = arith.constant 2 : i32
        %parallel_loop3A_467 = arith.index_cast %parallel_loop3A_465 : i32 to index
        %parallel_loop3A_468 = arith.index_cast %parallel_loop3A_466 : i32 to index
        %parallel_loop3A_469 = arith.index_cast %parallel_loop3A_339 : i32 to index
        %parallel_loop3A_470 = arith.constant 16 : index
        %parallel_loop3A_471 = tpu.vector_load %arg7[%parallel_loop3A_467, %parallel_loop3A_468, %parallel_loop3A_469, %parallel_loop3A_470] {strides = array<i32>} : memref<2x4x200x64xf32, #tpu.memory_space<vmem>>, vector<1x1x1x16xf32>,
        %parallel_loop3A_472 = vector.shape_cast %parallel_loop3A_471 : vector<1x1x1x16xf32> to vector<16xf32>
        %parallel_loop3A_473 = vector.shape_cast %parallel_loop3A_464 : vector<16xf32> to vector<1x1x1x16xf32>
        tpu.vector_store %arg7[%parallel_loop3A_467, %parallel_loop3A_468, %parallel_loop3A_469, %parallel_loop3A_470], %parallel_loop3A_473 {strides = array<i32>} : memref<2x4x200x64xf32, #tpu.memory_space<vmem>>, vector<1x1x1x16xf32>,
        %parallel_loop3A_474 = arith.constant 1 : i32
        %parallel_loop3A_475 = arith.constant 3 : i32
        %parallel_loop3A_476 = arith.index_cast %parallel_loop3A_474 : i32 to index
        %parallel_loop3A_477 = arith.index_cast %parallel_loop3A_475 : i32 to index
        %parallel_loop3A_478 = arith.index_cast %parallel_loop3A_339 : i32 to index
        %parallel_loop3A_479 = arith.constant 16 : index
        %parallel_loop3A_480 = tpu.vector_load %arg7[%parallel_loop3A_476, %parallel_loop3A_477, %parallel_loop3A_478, %parallel_loop3A_479] {strides = array<i32>} : memref<2x4x200x64xf32, #tpu.memory_space<vmem>>, vector<1x1x1x16xf32>,
        %parallel_loop3A_481 = vector.shape_cast %parallel_loop3A_480 : vector<1x1x1x16xf32> to vector<16xf32>
        %parallel_loop3A_482 = arith.addf %parallel_loop3A_481, %parallel_loop3A_419 : vector<16xf32>
        %parallel_loop3A_483 = arith.constant 1 : i32
        %parallel_loop3A_484 = arith.constant 3 : i32
        %parallel_loop3A_485 = arith.index_cast %parallel_loop3A_483 : i32 to index
        %parallel_loop3A_486 = arith.index_cast %parallel_loop3A_484 : i32 to index
        %parallel_loop3A_487 = arith.index_cast %parallel_loop3A_339 : i32 to index
        %parallel_loop3A_488 = arith.constant 16 : index
        %parallel_loop3A_489 = tpu.vector_load %arg7[%parallel_loop3A_485, %parallel_loop3A_486, %parallel_loop3A_487, %parallel_loop3A_488] {strides = array<i32>} : memref<2x4x200x64xf32, #tpu.memory_space<vmem>>, vector<1x1x1x16xf32>,
        %parallel_loop3A_490 = vector.shape_cast %parallel_loop3A_489 : vector<1x1x1x16xf32> to vector<16xf32>
        %parallel_loop3A_491 = vector.shape_cast %parallel_loop3A_482 : vector<16xf32> to vector<1x1x1x16xf32>
        tpu.vector_store %arg7[%parallel_loop3A_485, %parallel_loop3A_486, %parallel_loop3A_487, %parallel_loop3A_488], %parallel_loop3A_491 {strides = array<i32>} : memref<2x4x200x64xf32, #tpu.memory_space<vmem>>, vector<1x1x1x16xf32>,
        %parallel_loop3A_492 = arith.index_cast %parallel_loop3A_339 : i32 to index
        %parallel_loop3A_493 = arith.constant 32 : index
        %parallel_loop3A_494 = tpu.vector_load %arg8[%parallel_loop3A_492, %parallel_loop3A_493] {strides = array<i32>} : memref<200x64xf32, #tpu.memory_space<vmem>>, vector<1x16xf32>,
        %parallel_loop3A_495 = vector.shape_cast %parallel_loop3A_494 : vector<1x16xf32> to vector<16xf32>
        %parallel_loop3A_496 = arith.constant 1 : i32
        %parallel_loop3A_497 = arith.constant 0 : i32
        %parallel_loop3A_498 = arith.index_cast %parallel_loop3A_496 : i32 to index
        %parallel_loop3A_499 = arith.index_cast %parallel_loop3A_497 : i32 to index
        %parallel_loop3A_500 = arith.index_cast %parallel_loop3A_339 : i32 to index
        %parallel_loop3A_501 = arith.constant 32 : index
        %parallel_loop3A_502 = tpu.vector_load %arg7[%parallel_loop3A_498, %parallel_loop3A_499, %parallel_loop3A_500, %parallel_loop3A_501] {strides = array<i32>} : memref<2x4x200x64xf32, #tpu.memory_space<vmem>>, vector<1x1x1x16xf32>,
        %parallel_loop3A_503 = vector.shape_cast %parallel_loop3A_502 : vector<1x1x1x16xf32> to vector<16xf32>
        %parallel_loop3A_504 = arith.addf %parallel_loop3A_503, %parallel_loop3A_495 : vector<16xf32>
        %parallel_loop3A_505 = arith.constant 1 : i32
        %parallel_loop3A_506 = arith.constant 0 : i32
        %parallel_loop3A_507 = arith.index_cast %parallel_loop3A_505 : i32 to index
        %parallel_loop3A_508 = arith.index_cast %parallel_loop3A_506 : i32 to index
        %parallel_loop3A_509 = arith.index_cast %parallel_loop3A_339 : i32 to index
        %parallel_loop3A_510 = arith.constant 32 : index
        %parallel_loop3A_511 = tpu.vector_load %arg7[%parallel_loop3A_507, %parallel_loop3A_508, %parallel_loop3A_509, %parallel_loop3A_510] {strides = array<i32>} : memref<2x4x200x64xf32, #tpu.memory_space<vmem>>, vector<1x1x1x16xf32>,
        %parallel_loop3A_512 = vector.shape_cast %parallel_loop3A_511 : vector<1x1x1x16xf32> to vector<16xf32>
        %parallel_loop3A_513 = vector.shape_cast %parallel_loop3A_504 : vector<16xf32> to vector<1x1x1x16xf32>
        tpu.vector_store %arg7[%parallel_loop3A_507, %parallel_loop3A_508, %parallel_loop3A_509, %parallel_loop3A_510], %parallel_loop3A_513 {strides = array<i32>} : memref<2x4x200x64xf32, #tpu.memory_space<vmem>>, vector<1x1x1x16xf32>,
        %parallel_loop3A_514 = arith.constant 1 : i32
        %parallel_loop3A_515 = arith.constant 1 : i32
        %parallel_loop3A_516 = arith.index_cast %parallel_loop3A_514 : i32 to index
        %parallel_loop3A_517 = arith.index_cast %parallel_loop3A_515 : i32 to index
        %parallel_loop3A_518 = arith.index_cast %parallel_loop3A_339 : i32 to index
        %parallel_loop3A_519 = arith.constant 32 : index
        %parallel_loop3A_520 = tpu.vector_load %arg7[%parallel_loop3A_516, %parallel_loop3A_517, %parallel_loop3A_518, %parallel_loop3A_519] {strides = array<i32>} : memref<2x4x200x64xf32, #tpu.memory_space<vmem>>, vector<1x1x1x16xf32>,
        %parallel_loop3A_521 = vector.shape_cast %parallel_loop3A_520 : vector<1x1x1x16xf32> to vector<16xf32>
        %parallel_loop3A_522 = arith.addf %parallel_loop3A_521, %parallel_loop3A_495 : vector<16xf32>
        %parallel_loop3A_523 = arith.constant 1 : i32
        %parallel_loop3A_524 = arith.constant 1 : i32
        %parallel_loop3A_525 = arith.index_cast %parallel_loop3A_523 : i32 to index
        %parallel_loop3A_526 = arith.index_cast %parallel_loop3A_524 : i32 to index
        %parallel_loop3A_527 = arith.index_cast %parallel_loop3A_339 : i32 to index
        %parallel_loop3A_528 = arith.constant 32 : index
        %parallel_loop3A_529 = tpu.vector_load %arg7[%parallel_loop3A_525, %parallel_loop3A_526, %parallel_loop3A_527, %parallel_loop3A_528] {strides = array<i32>} : memref<2x4x200x64xf32, #tpu.memory_space<vmem>>, vector<1x1x1x16xf32>,
        %parallel_loop3A_530 = vector.shape_cast %parallel_loop3A_529 : vector<1x1x1x16xf32> to vector<16xf32>
        %parallel_loop3A_531 = vector.shape_cast %parallel_loop3A_522 : vector<16xf32> to vector<1x1x1x16xf32>
        tpu.vector_store %arg7[%parallel_loop3A_525, %parallel_loop3A_526, %parallel_loop3A_527, %parallel_loop3A_528], %parallel_loop3A_531 {strides = array<i32>} : memref<2x4x200x64xf32, #tpu.memory_space<vmem>>, vector<1x1x1x16xf32>,
        %parallel_loop3A_532 = arith.constant 1 : i32
        %parallel_loop3A_533 = arith.constant 2 : i32
        %parallel_loop3A_534 = arith.index_cast %parallel_loop3A_532 : i32 to index
        %parallel_loop3A_535 = arith.index_cast %parallel_loop3A_533 : i32 to index
        %parallel_loop3A_536 = arith.index_cast %parallel_loop3A_339 : i32 to index
        %parallel_loop3A_537 = arith.constant 32 : index
        %parallel_loop3A_538 = tpu.vector_load %arg7[%parallel_loop3A_534, %parallel_loop3A_535, %parallel_loop3A_536, %parallel_loop3A_537] {strides = array<i32>} : memref<2x4x200x64xf32, #tpu.memory_space<vmem>>, vector<1x1x1x16xf32>,
        %parallel_loop3A_539 = vector.shape_cast %parallel_loop3A_538 : vector<1x1x1x16xf32> to vector<16xf32>
        %parallel_loop3A_540 = arith.addf %parallel_loop3A_539, %parallel_loop3A_495 : vector<16xf32>
        %parallel_loop3A_541 = arith.constant 1 : i32
        %parallel_loop3A_542 = arith.constant 2 : i32
        %parallel_loop3A_543 = arith.index_cast %parallel_loop3A_541 : i32 to index
        %parallel_loop3A_544 = arith.index_cast %parallel_loop3A_542 : i32 to index
        %parallel_loop3A_545 = arith.index_cast %parallel_loop3A_339 : i32 to index
        %parallel_loop3A_546 = arith.constant 32 : index
        %parallel_loop3A_547 = tpu.vector_load %arg7[%parallel_loop3A_543, %parallel_loop3A_544, %parallel_loop3A_545, %parallel_loop3A_546] {strides = array<i32>} : memref<2x4x200x64xf32, #tpu.memory_space<vmem>>, vector<1x1x1x16xf32>,
        %parallel_loop3A_548 = vector.shape_cast %parallel_loop3A_547 : vector<1x1x1x16xf32> to vector<16xf32>
        %parallel_loop3A_549 = vector.shape_cast %parallel_loop3A_540 : vector<16xf32> to vector<1x1x1x16xf32>
        tpu.vector_store %arg7[%parallel_loop3A_543, %parallel_loop3A_544, %parallel_loop3A_545, %parallel_loop3A_546], %parallel_loop3A_549 {strides = array<i32>} : memref<2x4x200x64xf32, #tpu.memory_space<vmem>>, vector<1x1x1x16xf32>,
        %parallel_loop3A_550 = arith.constant 1 : i32
        %parallel_loop3A_551 = arith.constant 3 : i32
        %parallel_loop3A_552 = arith.index_cast %parallel_loop3A_550 : i32 to index
        %parallel_loop3A_553 = arith.index_cast %parallel_loop3A_551 : i32 to index
        %parallel_loop3A_554 = arith.index_cast %parallel_loop3A_339 : i32 to index
        %parallel_loop3A_555 = arith.constant 32 : index
        %parallel_loop3A_556 = tpu.vector_load %arg7[%parallel_loop3A_552, %parallel_loop3A_553, %parallel_loop3A_554, %parallel_loop3A_555] {strides = array<i32>} : memref<2x4x200x64xf32, #tpu.memory_space<vmem>>, vector<1x1x1x16xf32>,
        %parallel_loop3A_557 = vector.shape_cast %parallel_loop3A_556 : vector<1x1x1x16xf32> to vector<16xf32>
        %parallel_loop3A_558 = arith.addf %parallel_loop3A_557, %parallel_loop3A_495 : vector<16xf32>
        %parallel_loop3A_559 = arith.constant 1 : i32
        %parallel_loop3A_560 = arith.constant 3 : i32
        %parallel_loop3A_561 = arith.index_cast %parallel_loop3A_559 : i32 to index
        %parallel_loop3A_562 = arith.index_cast %parallel_loop3A_560 : i32 to index
        %parallel_loop3A_563 = arith.index_cast %parallel_loop3A_339 : i32 to index
        %parallel_loop3A_564 = arith.constant 32 : index
        %parallel_loop3A_565 = tpu.vector_load %arg7[%parallel_loop3A_561, %parallel_loop3A_562, %parallel_loop3A_563, %parallel_loop3A_564] {strides = array<i32>} : memref<2x4x200x64xf32, #tpu.memory_space<vmem>>, vector<1x1x1x16xf32>,
        %parallel_loop3A_566 = vector.shape_cast %parallel_loop3A_565 : vector<1x1x1x16xf32> to vector<16xf32>
        %parallel_loop3A_567 = vector.shape_cast %parallel_loop3A_558 : vector<16xf32> to vector<1x1x1x16xf32>
        tpu.vector_store %arg7[%parallel_loop3A_561, %parallel_loop3A_562, %parallel_loop3A_563, %parallel_loop3A_564], %parallel_loop3A_567 {strides = array<i32>} : memref<2x4x200x64xf32, #tpu.memory_space<vmem>>, vector<1x1x1x16xf32>,
        %parallel_loop3A_568 = arith.index_cast %parallel_loop3A_339 : i32 to index
        %parallel_loop3A_569 = arith.constant 48 : index
        %parallel_loop3A_570 = tpu.vector_load %arg8[%parallel_loop3A_568, %parallel_loop3A_569] {strides = array<i32>} : memref<200x64xf32, #tpu.memory_space<vmem>>, vector<1x16xf32>,
        %parallel_loop3A_571 = vector.shape_cast %parallel_loop3A_570 : vector<1x16xf32> to vector<16xf32>
        %parallel_loop3A_572 = arith.constant 1 : i32
        %parallel_loop3A_573 = arith.constant 0 : i32
        %parallel_loop3A_574 = arith.index_cast %parallel_loop3A_572 : i32 to index
        %parallel_loop3A_575 = arith.index_cast %parallel_loop3A_573 : i32 to index
        %parallel_loop3A_576 = arith.index_cast %parallel_loop3A_339 : i32 to index
        %parallel_loop3A_577 = arith.constant 48 : index
        %parallel_loop3A_578 = tpu.vector_load %arg7[%parallel_loop3A_574, %parallel_loop3A_575, %parallel_loop3A_576, %parallel_loop3A_577] {strides = array<i32>} : memref<2x4x200x64xf32, #tpu.memory_space<vmem>>, vector<1x1x1x16xf32>,
        %parallel_loop3A_579 = vector.shape_cast %parallel_loop3A_578 : vector<1x1x1x16xf32> to vector<16xf32>
        %parallel_loop3A_580 = arith.addf %parallel_loop3A_579, %parallel_loop3A_571 : vector<16xf32>
        %parallel_loop3A_581 = arith.constant 1 : i32
        %parallel_loop3A_582 = arith.constant 0 : i32
        %parallel_loop3A_583 = arith.index_cast %parallel_loop3A_581 : i32 to index
        %parallel_loop3A_584 = arith.index_cast %parallel_loop3A_582 : i32 to index
        %parallel_loop3A_585 = arith.index_cast %parallel_loop3A_339 : i32 to index
        %parallel_loop3A_586 = arith.constant 48 : index
        %parallel_loop3A_587 = tpu.vector_load %arg7[%parallel_loop3A_583, %parallel_loop3A_584, %parallel_loop3A_585, %parallel_loop3A_586] {strides = array<i32>} : memref<2x4x200x64xf32, #tpu.memory_space<vmem>>, vector<1x1x1x16xf32>,
        %parallel_loop3A_588 = vector.shape_cast %parallel_loop3A_587 : vector<1x1x1x16xf32> to vector<16xf32>
        %parallel_loop3A_589 = vector.shape_cast %parallel_loop3A_580 : vector<16xf32> to vector<1x1x1x16xf32>
        tpu.vector_store %arg7[%parallel_loop3A_583, %parallel_loop3A_584, %parallel_loop3A_585, %parallel_loop3A_586], %parallel_loop3A_589 {strides = array<i32>} : memref<2x4x200x64xf32, #tpu.memory_space<vmem>>, vector<1x1x1x16xf32>,
        %parallel_loop3A_590 = arith.constant 1 : i32
        %parallel_loop3A_591 = arith.constant 1 : i32
        %parallel_loop3A_592 = arith.index_cast %parallel_loop3A_590 : i32 to index
        %parallel_loop3A_593 = arith.index_cast %parallel_loop3A_591 : i32 to index
        %parallel_loop3A_594 = arith.index_cast %parallel_loop3A_339 : i32 to index
        %parallel_loop3A_595 = arith.constant 48 : index
        %parallel_loop3A_596 = tpu.vector_load %arg7[%parallel_loop3A_592, %parallel_loop3A_593, %parallel_loop3A_594, %parallel_loop3A_595] {strides = array<i32>} : memref<2x4x200x64xf32, #tpu.memory_space<vmem>>, vector<1x1x1x16xf32>,
        %parallel_loop3A_597 = vector.shape_cast %parallel_loop3A_596 : vector<1x1x1x16xf32> to vector<16xf32>
        %parallel_loop3A_598 = arith.addf %parallel_loop3A_597, %parallel_loop3A_571 : vector<16xf32>
        %parallel_loop3A_599 = arith.constant 1 : i32
        %parallel_loop3A_600 = arith.constant 1 : i32
        %parallel_loop3A_601 = arith.index_cast %parallel_loop3A_599 : i32 to index
        %parallel_loop3A_602 = arith.index_cast %parallel_loop3A_600 : i32 to index
        %parallel_loop3A_603 = arith.index_cast %parallel_loop3A_339 : i32 to index
        %parallel_loop3A_604 = arith.constant 48 : index
        %parallel_loop3A_605 = tpu.vector_load %arg7[%parallel_loop3A_601, %parallel_loop3A_602, %parallel_loop3A_603, %parallel_loop3A_604] {strides = array<i32>} : memref<2x4x200x64xf32, #tpu.memory_space<vmem>>, vector<1x1x1x16xf32>,
        %parallel_loop3A_606 = vector.shape_cast %parallel_loop3A_605 : vector<1x1x1x16xf32> to vector<16xf32>
        %parallel_loop3A_607 = vector.shape_cast %parallel_loop3A_598 : vector<16xf32> to vector<1x1x1x16xf32>
        tpu.vector_store %arg7[%parallel_loop3A_601, %parallel_loop3A_602, %parallel_loop3A_603, %parallel_loop3A_604], %parallel_loop3A_607 {strides = array<i32>} : memref<2x4x200x64xf32, #tpu.memory_space<vmem>>, vector<1x1x1x16xf32>,
        %parallel_loop3A_608 = arith.constant 1 : i32
        %parallel_loop3A_609 = arith.constant 2 : i32
        %parallel_loop3A_610 = arith.index_cast %parallel_loop3A_608 : i32 to index
        %parallel_loop3A_611 = arith.index_cast %parallel_loop3A_609 : i32 to index
        %parallel_loop3A_612 = arith.index_cast %parallel_loop3A_339 : i32 to index
        %parallel_loop3A_613 = arith.constant 48 : index
        %parallel_loop3A_614 = tpu.vector_load %arg7[%parallel_loop3A_610, %parallel_loop3A_611, %parallel_loop3A_612, %parallel_loop3A_613] {strides = array<i32>} : memref<2x4x200x64xf32, #tpu.memory_space<vmem>>, vector<1x1x1x16xf32>,
        %parallel_loop3A_615 = vector.shape_cast %parallel_loop3A_614 : vector<1x1x1x16xf32> to vector<16xf32>
        %parallel_loop3A_616 = arith.addf %parallel_loop3A_615, %parallel_loop3A_571 : vector<16xf32>
        %parallel_loop3A_617 = arith.constant 1 : i32
        %parallel_loop3A_618 = arith.constant 2 : i32
        %parallel_loop3A_619 = arith.index_cast %parallel_loop3A_617 : i32 to index
        %parallel_loop3A_620 = arith.index_cast %parallel_loop3A_618 : i32 to index
        %parallel_loop3A_621 = arith.index_cast %parallel_loop3A_339 : i32 to index
        %parallel_loop3A_622 = arith.constant 48 : index
        %parallel_loop3A_623 = tpu.vector_load %arg7[%parallel_loop3A_619, %parallel_loop3A_620, %parallel_loop3A_621, %parallel_loop3A_622] {strides = array<i32>} : memref<2x4x200x64xf32, #tpu.memory_space<vmem>>, vector<1x1x1x16xf32>,
        %parallel_loop3A_624 = vector.shape_cast %parallel_loop3A_623 : vector<1x1x1x16xf32> to vector<16xf32>
        %parallel_loop3A_625 = vector.shape_cast %parallel_loop3A_616 : vector<16xf32> to vector<1x1x1x16xf32>
        tpu.vector_store %arg7[%parallel_loop3A_619, %parallel_loop3A_620, %parallel_loop3A_621, %parallel_loop3A_622], %parallel_loop3A_625 {strides = array<i32>} : memref<2x4x200x64xf32, #tpu.memory_space<vmem>>, vector<1x1x1x16xf32>,
        %parallel_loop3A_626 = arith.constant 1 : i32
        %parallel_loop3A_627 = arith.constant 3 : i32
        %parallel_loop3A_628 = arith.index_cast %parallel_loop3A_626 : i32 to index
        %parallel_loop3A_629 = arith.index_cast %parallel_loop3A_627 : i32 to index
        %parallel_loop3A_630 = arith.index_cast %parallel_loop3A_339 : i32 to index
        %parallel_loop3A_631 = arith.constant 48 : index
        %parallel_loop3A_632 = tpu.vector_load %arg7[%parallel_loop3A_628, %parallel_loop3A_629, %parallel_loop3A_630, %parallel_loop3A_631] {strides = array<i32>} : memref<2x4x200x64xf32, #tpu.memory_space<vmem>>, vector<1x1x1x16xf32>,
        %parallel_loop3A_633 = vector.shape_cast %parallel_loop3A_632 : vector<1x1x1x16xf32> to vector<16xf32>
        %parallel_loop3A_634 = arith.addf %parallel_loop3A_633, %parallel_loop3A_571 : vector<16xf32>
        %parallel_loop3A_635 = arith.constant 1 : i32
        %parallel_loop3A_636 = arith.constant 3 : i32
        %parallel_loop3A_637 = arith.index_cast %parallel_loop3A_635 : i32 to index
        %parallel_loop3A_638 = arith.index_cast %parallel_loop3A_636 : i32 to index
        %parallel_loop3A_639 = arith.index_cast %parallel_loop3A_339 : i32 to index
        %parallel_loop3A_640 = arith.constant 48 : index
        %parallel_loop3A_641 = tpu.vector_load %arg7[%parallel_loop3A_637, %parallel_loop3A_638, %parallel_loop3A_639, %parallel_loop3A_640] {strides = array<i32>} : memref<2x4x200x64xf32, #tpu.memory_space<vmem>>, vector<1x1x1x16xf32>,
        %parallel_loop3A_642 = vector.shape_cast %parallel_loop3A_641 : vector<1x1x1x16xf32> to vector<16xf32>
        %parallel_loop3A_643 = vector.shape_cast %parallel_loop3A_634 : vector<16xf32> to vector<1x1x1x16xf32>
        tpu.vector_store %arg7[%parallel_loop3A_637, %parallel_loop3A_638, %parallel_loop3A_639, %parallel_loop3A_640], %parallel_loop3A_643 {strides = array<i32>} : memref<2x4x200x64xf32, #tpu.memory_space<vmem>>, vector<1x1x1x16xf32>,
      } {sc.loop_unroll_factor = 2 : i64, sc.parallel_access}
      %mul3A_319 = arith.constant 4 : i32
      %mul3A_320 = arith.muli %add3A_244, %mul3A_319 : i32
      %add3A_321 = arith.addi %mul3A_2, %mul3A_320 : i32
      %dma_start3A_322 = arith.constant 1 : i32
      %dma_start3A_323 = arith.constant 0 : i32
      %dma_start3A_324 = arith.constant 0 : i32
      %dma_start3A_325 = arith.constant 0 : i32
      %dma_start3A_326 = tpu.memref_slice %arg7[%dma_start3A_322, %dma_start3A_323, %dma_start3A_324, %dma_start3A_325] : memref<2x4x200x64xf32, #tpu.memory_space<vmem>> -> memref<1x4x200x64xf32, #tpu.memory_space<vmem>>
      %dma_start3A_327 = tpu.memref_squeeze %dma_start3A_326 : memref<1x4x200x64xf32, #tpu.memory_space<vmem>> -> memref<4x200x64xf32, #tpu.memory_space<vmem>>
      %dma_start3A_328 = arith.constant 0 : i32
      %dma_start3A_329 = arith.constant 0 : i32
      %dma_start3A_330 = tpu.memref_slice %arg5[%add3A_321, %dma_start3A_328, %dma_start3A_329] : memref<1024x200x64xf32, #tpu.memory_space<hbm>> -> memref<4x200x64xf32, #tpu.memory_space<hbm>>
      %dma_start3A_331 = arith.constant 0 : i32
      %dma_start3A_332 = arith.constant 0 : i32
      %dma_start3A_333 = tpu.memref_slice %arg5[%add3A_321, %dma_start3A_331, %dma_start3A_332] : memref<1024x200x64xf32, #tpu.memory_space<hbm>> -> memref<4x200x64xf32, #tpu.memory_space<hbm>>
      %dma_start3A_334 = arith.constant 0 : i32
      %dma_start3A_335 = arith.constant 0 : i32
      %dma_start3A_336 = arith.constant 0 : i32
      %dma_start3A_337 = tpu.memref_slice %arg7[%dma_start3A_322, %dma_start3A_334, %dma_start3A_335, %dma_start3A_336] : memref<2x4x200x64xf32, #tpu.memory_space<vmem>> -> memref<1x4x200x64xf32, #tpu.memory_space<vmem>>
      %dma_start3A_338 = tpu.memref_squeeze %dma_start3A_337 : memref<1x4x200x64xf32, #tpu.memory_space<vmem>> -> memref<4x200x64xf32, #tpu.memory_space<vmem>>
      tpu.enqueue_dma source(%dma_start3A_338 : memref<4x200x64xf32, #tpu.memory_space<vmem>>) target(%dma_start3A_333 : memref<4x200x64xf32, #tpu.memory_space<hbm>>) target_semaphore(%arg12 : memref<!tpu.dma_semaphore, #tpu.memory_space<semaphore_mem>>)
    }
    %scan3A_110 = arith.constant 4 : i32
    %dma_wait3A = arith.constant 0 : i32
    %dma_wait3A_111 = arith.constant 0 : i32
    %dma_wait3A_112 = arith.constant 0 : i32
    %dma_wait3A_113 = arith.constant 0 : i32
    %dma_wait3A_114 = tpu.memref_slice %arg7[%dma_wait3A, %dma_wait3A_111, %dma_wait3A_112, %dma_wait3A_113] : memref<2x4x200x64xf32, #tpu.memory_space<vmem>> -> memref<1x4x200x64xf32, #tpu.memory_space<vmem>>
    %dma_wait3A_115 = tpu.memref_squeeze %dma_wait3A_114 : memref<1x4x200x64xf32, #tpu.memory_space<vmem>> -> memref<4x200x64xf32, #tpu.memory_space<vmem>>
    %dma_wait3A_116 = arith.constant 0 : i32
    %dma_wait3A_117 = arith.constant 0 : i32
    %dma_wait3A_118 = arith.constant 0 : i32
    %dma_wait3A_119 = tpu.memref_slice %arg5[%dma_wait3A_116, %dma_wait3A_117, %dma_wait3A_118] : memref<1024x200x64xf32, #tpu.memory_space<hbm>> -> memref<4x200x64xf32, #tpu.memory_space<hbm>>
    %dma_wait3A_120 = arith.constant 0 : i32
    %dma_wait3A_121 = arith.constant 0 : i32
    %dma_wait3A_122 = arith.constant 0 : i32
    %dma_wait3A_123 = tpu.memref_slice %arg5[%dma_wait3A_120, %dma_wait3A_121, %dma_wait3A_122] : memref<1024x200x64xf32, #tpu.memory_space<hbm>> -> memref<4x200x64xf32, #tpu.memory_space<hbm>>
    %dma_wait3A_124 = arith.constant 0 : i32
    %dma_wait3A_125 = arith.constant 0 : i32
    %dma_wait3A_126 = arith.constant 0 : i32
    %dma_wait3A_127 = tpu.memref_slice %arg7[%dma_wait3A, %dma_wait3A_124, %dma_wait3A_125, %dma_wait3A_126] : memref<2x4x200x64xf32, #tpu.memory_space<vmem>> -> memref<1x4x200x64xf32, #tpu.memory_space<vmem>>
    %dma_wait3A_128 = tpu.memref_squeeze %dma_wait3A_127 : memref<1x4x200x64xf32, #tpu.memory_space<vmem>> -> memref<4x200x64xf32, #tpu.memory_space<vmem>>
    tpu.wait_dma2 semaphore(%arg11 : memref<!tpu.dma_semaphore, #tpu.memory_space<semaphore_mem>>) src(%dma_wait3A_128 : memref<4x200x64xf32, #tpu.memory_space<vmem>>) dst(%dma_wait3A_123 : memref<4x200x64xf32, #tpu.memory_space<hbm>>)
    %dma_wait3A_129 = arith.constant 1 : i32
    %dma_wait3A_130 = arith.constant 0 : i32
    %dma_wait3A_131 = arith.constant 0 : i32
    %dma_wait3A_132 = arith.constant 0 : i32
    %dma_wait3A_133 = tpu.memref_slice %arg7[%dma_wait3A_129, %dma_wait3A_130, %dma_wait3A_131, %dma_wait3A_132] : memref<2x4x200x64xf32, #tpu.memory_space<vmem>> -> memref<1x4x200x64xf32, #tpu.memory_space<vmem>>
    %dma_wait3A_134 = tpu.memref_squeeze %dma_wait3A_133 : memref<1x4x200x64xf32, #tpu.memory_space<vmem>> -> memref<4x200x64xf32, #tpu.memory_space<vmem>>
    %dma_wait3A_135 = arith.constant 0 : i32
    %dma_wait3A_136 = arith.constant 0 : i32
    %dma_wait3A_137 = arith.constant 0 : i32
    %dma_wait3A_138 = tpu.memref_slice %arg5[%dma_wait3A_135, %dma_wait3A_136, %dma_wait3A_137] : memref<1024x200x64xf32, #tpu.memory_space<hbm>> -> memref<4x200x64xf32, #tpu.memory_space<hbm>>
    %dma_wait3A_139 = arith.constant 0 : i32
    %dma_wait3A_140 = arith.constant 0 : i32
    %dma_wait3A_141 = arith.constant 0 : i32
    %dma_wait3A_142 = tpu.memref_slice %arg5[%dma_wait3A_139, %dma_wait3A_140, %dma_wait3A_141] : memref<1024x200x64xf32, #tpu.memory_space<hbm>> -> memref<4x200x64xf32, #tpu.memory_space<hbm>>
    %dma_wait3A_143 = arith.constant 0 : i32
    %dma_wait3A_144 = arith.constant 0 : i32
    %dma_wait3A_145 = arith.constant 0 : i32
    %dma_wait3A_146 = tpu.memref_slice %arg7[%dma_wait3A_129, %dma_wait3A_143, %dma_wait3A_144, %dma_wait3A_145] : memref<2x4x200x64xf32, #tpu.memory_space<vmem>> -> memref<1x4x200x64xf32, #tpu.memory_space<vmem>>
    %dma_wait3A_147 = tpu.memref_squeeze %dma_wait3A_146 : memref<1x4x200x64xf32, #tpu.memory_space<vmem>> -> memref<4x200x64xf32, #tpu.memory_space<vmem>>
    tpu.wait_dma2 semaphore(%arg12 : memref<!tpu.dma_semaphore, #tpu.memory_space<semaphore_mem>>) src(%dma_wait3A_147 : memref<4x200x64xf32, #tpu.memory_space<vmem>>) dst(%dma_wait3A_142 : memref<4x200x64xf32, #tpu.memory_space<hbm>>)
    return
  }
}

</mosaic_0001>

<sc_bundles>
// kernel: _emb.3.cloned.1.call-start
scs
__scs_entry_jumppad:
0x0: {  	(pc) =	sbr.rel $0x88, $3  }
0x1: {  	(tag) =	ssettag $0x0;
	lr =	simm.s32 $0x1  }
0x2: {  	[smem:$0x3F9E] =	sst lr;
	_ =	strace $0xD0000000  }
0x3: {  	_ = 	snop  }
0x4: {  	_ = 	snop  }
0x5: {  	_ = 	snop  }
0x6: {  	_ = 	snop  }
0x7: {  	_ = 	snop  }
__scs_overlays_trampoline_lowered:
0x8: {  	[smem:$0x3FAD] =	sst s0  }
0x9: {  	[smem:$0x3FAE] =	sst s1  }
0xa: {  	[smem:$0x3FAF] =	sst s2  }
0xb: {  	[smem:$0x3FB0] =	sst s3  }
0xc: {  	[smem:$0x3FB1] =	sst s4  }
0xd: {  	[smem:$0x3FB2] =	sst s5  }
0xe: {  	[smem:$0x3FB3] =	sst s6  }
0xf: {  	[smem:$0x3FB4] =	sst s7  }
0x10: {  	[smem:$0x3FB5] =	sst s8  }
0x11: {  	[smem:$0x3FB6] =	sst s9;
	s0 =	simm.s32 @!p0 $0x0  }
0x12: {  	s1 =	sld [smem:$0x3F9C];
	s0 =	simm.s32 @p0 $0x1  }
0x13: {  	[smem:$0x3FB7] =	sst s0;
	s0 =	simm.s32 @!p1 $0x0  }
0x14: {  	s2 =	sld [smem:$0x3F9B];
	s0 =	simm.s32 @p1 $0x1  }
0x15: {  	[smem:$0x3FB8] =	sst s0;
	s0 =	simm.s32 @!p2 $0x0  }
0x16: {  	s3 =	sld [smem:$0x3FDB];
	s0 =	simm.s32 @p2 $0x1  }
0x17: {  	s4 =	simm.s32 $0x1BF5;
	[smem:$0x3FBA] =	sst s0  }
0x18: {  	s0 =	sld [smem:$0x3F9D];
	_ =	swait.ge [sflag:s4], $0x0  }
0x19: {  	s7 =	sld [smem:$0x3F9E]  }
0x1a: {  	s8 =	sadd.s32 $0xFFFFE003, lr  }
0x1b: {  	s9 =	sadd.s32 $0xFFFFFEF7, lr;
	s5 =	simm.s32 $0xFFFFFFFF;
	p2 =	slt.u32 s8, $0xFFFFF086  }
0x1c: {  	p1 =	slt.u32 s9, $0xF7A;
	s5 =	simm.s32 @!p2 $0x0  }
0x1d: {  	s5 =	simm.s32 @p1 $0x1;
	p0 =	seq.s32 s7, s2  }
0x1e: {  	s7 =	smul.u32 @!p0 $0xF7A, s2;
	p2 =	seq.s32 @!p0 s5, $0x0  }
0x1f: {  	s9 =	smul.u32 $0xF7A, s1;
	s8 =	simm.s32 @!p0 $0x1BF5;
	p2 =	por !p2, p0  }
0x20: {  	[sflag:s8] =	ssyncset.s32 @!p0 $0xFFFFF086;
	s6 =	sadd.s32 @!p0 s3, s7;
	s7 =	simm.s32 @!p0 $0x108  }
0x21: {  	s3 =	sadd.s32 s3, s9;
	s6 =	sadd.s32 @!p0 $0x88, s6;
	s7 =	simm.s32 @p2 $0x1082  }
0x22: {  	[simem:s7], [sflag:s8] =	dma.local @!p0 [hbm:s6], $0xF7A  }
0x23: {  	s9 =	sor.u32 $0xD0000000, s2;
	s6 =	simm.s32 $0x108;
	_ =	swait.ge @!p0 [sflag:s8], $0x0  }
0x24: {  	s3 =	sadd.s32 $0x88, s3;
	s6 =	simm.s32 @!p1 $0x1082;
	[sflag:s4] =	ssyncset.s32 $0xFFFFF086  }
0x25: {  	[simem:s6], [sflag:s4] =	dma.local [hbm:s3], $0xF7A  }
0x26: {  	[smem:$0x3F9E] =	sst s1;
	(tag) =	ssettag s2;
	_ =	strace s9  }
0x27: {  	s1 =	sld [smem:$0x3FAE]  }
0x28: {  	s2 =	sld [smem:$0x3FAF]  }
0x29: {  	s4 =	sld [smem:$0x3FB1]  }
0x2a: {  	p0 =	seq.s32 s5, $0x0;
	s5 =	sld [smem:$0x3FB2]  }
0x2b: {  	s6 =	sld [smem:$0x3FB3]  }
0x2c: {  	s7 =	sld [smem:$0x3FB4]  }
0x2d: {  	s3 =	simm.s32 $0x108;
	s8 =	sld [smem:$0x3FB5]  }
0x2e: {  	s3 =	simm.s32 @!p0 $0x1082;
	s9 =	sld [smem:$0x3FB6]  }
0x2f: {  	lr =	sadd.s32 s0, s3;
	s0 =	sld [smem:$0x3FAD]  }
0x30: {  	s3 =	sld [smem:$0x3FB0]  }
0x31: {  	[smem:$0x3FB9] =	sst s10  }
0x32: {  	s10 =	sld [smem:$0x3FB7];
	_ =	sdelay $0x3  }
0x33: {  	p0 =	seq.s32 s10, $0x1;
	s10 =	sld [smem:$0x3FB9];
	_ =	sdelay $0x3  }
0x34: {  	[smem:$0x3FB9] =	sst s10  }
0x35: {  	s10 =	sld [smem:$0x3FB8];
	_ =	sdelay $0x3  }
0x36: {  	p1 =	seq.s32 s10, $0x1;
	s10 =	sld [smem:$0x3FB9];
	_ =	sdelay $0x3  }
0x37: {  	[smem:$0x3FB9] =	sst s10  }
0x38: {  	s10 =	sld [smem:$0x3FBA]  }
0x39: {  	_ = 	snop;
	(pc) =	sbr.ind lr, $3  }
0x3a: {  	_ = 	snop  }
0x3b: {  	_ = 	snop  }
0x3c: {  	p2 =	seq.s32 s10, $0x1;
	s10 =	sld [smem:$0x3FB9]  }
0x3d: {  	_ =	shalt  }
0x3e: {  	_ =	shalt  }
0x3f: {  	_ =	shalt  }
0x40: {  	_ =	shalt  }
0x41: {  	_ =	shalt  }
0x42: {  	_ =	shalt  }
0x43: {  	_ =	shalt  }
0x44: {  	_ =	shalt  }
0x45: {  	_ =	shalt  }
0x46: {  	_ =	shalt  }
0x47: {  	_ =	shalt  }
0x48: {  	_ =	shalt  }
0x49: {  	_ =	shalt  }
0x4a: {  	_ =	shalt  }
0x4b: {  	_ =	shalt  }
0x4c: {  	_ =	shalt  }
0x4d: {  	_ =	shalt  }
0x4e: {  	_ =	shalt  }
0x4f: {  	_ =	shalt  }
0x50: {  	_ =	shalt  }
0x51: {  	_ =	shalt  }
0x52: {  	_ =	shalt  }
0x53: {  	_ =	shalt  }
0x54: {  	_ =	shalt  }
0x55: {  	_ =	shalt  }
0x56: {  	_ =	shalt  }
0x57: {  	_ =	shalt  }
0x58: {  	_ =	shalt  }
0x59: {  	_ =	shalt  }
0x5a: {  	_ =	shalt  }
0x5b: {  	_ =	shalt  }
0x5c: {  	_ =	shalt  }
0x5d: {  	_ =	shalt  }
0x5e: {  	_ =	shalt  }
0x5f: {  	_ =	shalt  }
0x60: {  	_ =	shalt  }
0x61: {  	_ =	shalt  }
0x62: {  	_ =	shalt  }
0x63: {  	_ =	shalt  }
0x64: {  	_ =	shalt  }
0x65: {  	_ =	shalt  }
0x66: {  	_ =	shalt  }
0x67: {  	_ =	shalt  }
0x68: {  	_ =	shalt  }
0x69: {  	_ =	shalt  }
0x6a: {  	_ =	shalt  }
0x6b: {  	_ =	shalt  }
0x6c: {  	_ =	shalt  }
0x6d: {  	_ =	shalt  }
0x6e: {  	_ =	shalt  }
0x6f: {  	_ =	shalt  }
0x70: {  	_ =	shalt  }
0x71: {  	_ =	shalt  }
0x72: {  	_ =	shalt  }
0x73: {  	_ =	shalt  }
0x74: {  	_ =	shalt  }
0x75: {  	_ =	shalt  }
0x76: {  	_ =	shalt  }
0x77: {  	_ =	shalt  }
0x78: {  	_ =	shalt  }
0x79: {  	_ =	shalt  }
0x7a: {  	_ =	shalt  }
0x7b: {  	_ =	shalt  }
0x7c: {  	_ =	shalt  }
0x7d: {  	_ =	shalt  }
0x7e: {  	_ =	shalt  }
0x7f: {  	_ =	shalt  }
0x80: {  	_ =	shalt  }
0x81: {  	_ =	shalt  }
0x82: {  	_ =	shalt  }
0x83: {  	_ =	shalt  }
0x84: {  	_ =	shalt  }
0x85: {  	_ =	shalt  }
0x86: {  	_ =	shalt  }
0x87: {  	_ =	shalt  }
.Lfunc_end0:
.L_simem_size_0:
called_computation.1_lowered:
.L_overlay_start_0:
0x88: {  	s2 =	sld [smem:$0x3FD9]  }
0x89: {  	s3 =	sld [smem:$0x3FFE];
	_ =	sdelay $0x1  }
0x8a: {  	s1 =	srdreg.scid  }
0x8b: {  	s0 =	sand.u32 $0x1, s1  }
0x8c: {  	s17 =	sshll.u32 s0, $0xA;
	s2 =	sadd.s32 s3, s2  }
0x8d: {  	s2 =	sadd.s32 s2, s17  }
0x8e: {  	[smem:$0x3FC5] =	sst s2  }
0x8f: {  	_ = 	snop  }
0x90: {  	s2 =	sld [smem:$0x3FD0];
	(tm) =	ssettm $0x1  }
0x91: {  	s18 =	sld [smem:$0x3FFB];
	_ =	sdelay $0x3  }
0x92: {  	_ =	strace s18  }
0x93: {  	s3 =	sld [smem:$0x3FFC];
	_ =	sdelay $0x3  }
0x94: {  	_ =	strace s3  }
0x95: {  	s3 =	sld [smem:$0x3FFD];
	_ =	sdelay $0x3  }
0x96: {  	_ =	strace s3  }
0x97: {  	_ =	strace $0x8FFFFFFF  }
0x98: {  	s19 =	sld [smem:$0x3FDB];
	_ =	sdelay $0x1  }
0x99: {  	s4 =	simm.s32 $_scs_section_size  }
0x9a: {  	s5 =	simm.s32 $_size__tile_overlayer_lowered;
	s6 =	simm.s32 $_tile_overlayer_lowered  }
0x9b: {  	s22 =	simm.s32 $0x1BFF;
	s21 =	sshll.u32 s6, $0x1;
	s3 =	sadd.s32 s4, s19  }
0x9c: {  	s7 =	simm.s32 $0x0;
	s20 =	sshll.u32 s5, $0x1;
	s5 =	sadd.s32 s21, s3  }
0x9d: {  	[timem:s7], [sflag:s22] =	dma.local [hbm:s5], s20  }
0x9e: {  	_ =	swait.ge [sflag:s22], s20  }
0x9f: {  	s4 =	ssub.s32 $0x0, s20;
	[sflag:s22] =	ssyncset.done $0x0  }
0xa0: {  	[sflag:s22] =	ssyncadd.s32 s4;
	_ =	sdelay $0x1  }
0xa1: {  	s23 =	simm.s32 $0x1B8B  }
0xa2: {  	_ =	swait.ge [sflag:s23], $0x1  }
0xa3: {  	[sflag:s23] =	ssyncset.done $0x0  }
0xa4: {  	s25 =	simm.s32 $0x1B8E;
	s24 =	sld [smem:$0x3FFE];
	[sflag:s23] =	ssyncadd.s32 $0xFFFFFFFF  }
0xa5: {  	s26 =	simm.s32 $execute0_lowered;
	[smem:$0x3FD2] =	sst s25  }
0xa6: {  	s5 =	sshll.u32 s26, $0x1;
	_ =	strace $0x80000046;
	[dreg:$0x1] =	wrdreg $0xFFFFFFFF  }
0xa7: {  	s28 =	simm.s32 $_size_execute0_lowered;
	s3 =	sadd.s32 s3, s5;
	[dreg:$0x0] =	wrdreg $0x0  }
0xa8: {  	s5 =	sshll.u32 s28, $0x1;
	[dreg:$0x2] =	wrdreg s3  }
0xa9: {  	[dreg:$0x3] =	wrdreg s5  }
0xaa: {  	[dreg:$0x4] =	wrdreg $0xC0  }
0xab: {  	_ =	task [dreg:s7], $0x5FFFF  }
0xac: {  	[dreg:$0x1] =	wrdreg $0xFFFFFFFF  }
0xad: {  	[dreg:$0x0] =	wrdreg $0x60  }
0xae: {  	[dreg:$0x2] =	wrdreg s24  }
0xaf: {  	[dreg:$0x3] =	wrdreg s2  }
0xb0: {  	[dreg:$0x4] =	wrdreg $0x9  }
0xb1: {  	_ =	task.clear_ibuf [dreg:s7], $0x5FFFF;
	_ =	strace $0x90000046  }
0xb2: {  	s29 =	simm.s32 $0x9;
	_ =	strace $0x80000048  }
0xb3: {  	_ =	swait.ge [sflag:s29], $0x1  }
0xb4: {  	[sflag:s29] =	ssyncadd.s32 $0xFFFFFFFF  }
0xb5: {  	_ =	strace $0x90000048  }
0xb6: {  	_ =	sfence  }
0xb7: {  	s30 =	sld [smem:$0x0];
	_ =	sdelay $0x2  }
0xb8: {  	s31 =	sshll.u32 s1, $0xD;
	s1 =	sshrl.u32 s1, $0x2  }
0xb9: {  	s3 =	sand.u32 $0x4000, s31;
	s1 =	sadd.s32 s1, s30  }
0xba: {  	s0 =	sor.u32 s3, s0;
	s1 =	sshll.u32 s1, $0x11  }
0xbb: {  	s0 =	sor.u32 s1, s0  }
0xbc: {  	s0 =	sadd.s32 $0x8F2B, s0  }
0xbd: {  	[sflag:s0] =	ssyncadd.remote.s32 $0x1  }
0xbe: {  	_ =	sfence.sel $0xFFFF  }
0xbf: {  	[dreg:$0x0] =	wrdreg $0xFFFFFFFF;
	(pc) =	sbr.abs _section_cstart, $3  }
0xc0: {  	[dreg:$0x1] =	wrdreg $0xFFFFFFFF  }
0xc1: {  	_ =	task.clear_ibuf [dreg:s7], $0x2FFFF;
	_ =	strace $0x9FFFFFFF  }
0xc2: {  	(tm) =	ssettm $0x7FFFFFFF  }
0xc3: {  	_ =	shalt  }
tec
execute0_lowered:
.L_overlay_start_1:
0x0: {  	(tag) =	ssettag $0x1  }
0x1: {  	s0 =	srdreg.scid  }
0x2: {  	s2 =	stileid.u32;
	s1 =	rddreg [dreg:$0x0];
	s9 =	simm.s32 $0x5  }
0x3: {  	s11 =	simm.s32 $0x68;
	s12 =	simm.s32 $0x1900;
	s13 =	simm.s32 $0x60  }
0x4: {  	s28 =	simm.s32 $0xE100;
	s29 =	simm.s32 $0xFB00;
	s30 =	simm.s32 $0x11300  }
0x5: {  	s31 =	simm.s32 $0x12D00;
	s10 =	simm.s32 $0x17700;
	s14 =	simm.s32 $0x19100  }
0x6: {  	s15 =	simm.s32 $0x1;
	s16 =	simm.s32 $0x2;
	s17 =	simm.s32 $0x3  }
0x7: {  	s18 =	simm.s32 $0x4;
	s19 =	simm.s32 $0x0;
	s0 =	sand.u32 $0x1, s0  }
0x8: {  	s3 =	sshll.u32 s2, $0x6;
	s2 =	rddreg [dreg:$0x1];
	s4 =	sshll.u32 s0, $0x5  }
0x9: {  	s0 =	ssub.s32 $0x2, s0;
	s3 =	sor.u32 s4, s3;
	s4 =	simm.s32 $0x0  }
0xa: {  	s8 =	sshrl.u32 s0, $0x1;
	s5 =	smul.u32 $0x19, s3;
	[smem:$0x7FF] =	sst s4  }
0xb: {  	s6 =	sadd.s32 $0x7000, s1;
	s0 =	ssub.s32 s0, s8;
	_ =	strace $0x80000047  }
0xc: {  	s8 =	smax.u32 s0, $0x1;
	s0 =	simm.s32 $0x15F00;
	s7 =	sadd.s32 s5, s1  }
0xd: {  	s5 =	sadd.s32 $0xF43000, s1;
	s1 =	simm.s32 $0x14500;
	s7 =	sadd.s32 $0xC00, s7  }
.LBB2_1:
0xe: {  	[tilespmem:s4], [sflag:$0x5] =	stream.linear.gather [hbm4b:s7+s4], $0x1900, $0x38;
	[tilespmem:$0x1DB00] =	vst v63  }
0xf: {  	_ =	swait.ge [sflag:s9], $0x1900  }
0x10: {  	[sflag:s9] =	ssyncset.done $0x0  }
0x11: {  	s20 =	simm.s32 $0x1A900;
	[sflag:s9] =	ssyncadd.s32 $0xFFFFE700  }
0x12: {  	[tilespmem:s20], [sflag:$0x5] =	stream.linear.gather [hbm4b:s6+s4], $0x3200, $0x38;
	[tilespmem:$0x1DB00] =	vst v63  }
0x13: {  	_ =	swait.ge [sflag:s9], $0x3200  }
0x14: {  	[sflag:s9] =	ssyncset.done $0x0  }
0x15: {  	[sflag:s9] =	ssyncadd.s32 $0xFFFFCE00  }
0x16: {  	[tilespmem:s12], [sflag:$0x1] =	stream.indirect.gather [hbm4b:s5+s11], $0x40, s4, s11, $0xb8;
	[tilespmem:$0x1DB00] =	vst v63  }
0x17: {  	s21 =	simm.s32 $0x3300  }
0x18: {  	[tilespmem:s21], [sflag:$0x1] =	stream.indirect.gather [hbm4b:s5+s13], $0x40, s11, s13, $0xb8;
	[tilespmem:$0x1DB00] =	vst v63  }
0x19: {  	s22 =	simm.s32 $0xC8;
	s21 =	simm.s32 $0x4B00  }
0x1a: {  	[tilespmem:s21], [sflag:$0x1] =	stream.indirect.gather [hbm4b:s5+s11], $0x40, s22, s11, $0xb8;
	[tilespmem:$0x1DB00] =	vst v63  }
0x1b: {  	s23 =	simm.s32 $0x130;
	s24 =	simm.s32 $0x6500  }
0x1c: {  	[tilespmem:s24], [sflag:$0x1] =	stream.indirect.gather [hbm4b:s5+s13], $0x40, s23, s13, $0xb8;
	[tilespmem:$0x1DB00] =	vst v63  }
0x1d: {  	s25 =	simm.s32 $0x190;
	s26 =	simm.s32 $0x7D00  }
0x1e: {  	[tilespmem:s26], [sflag:$0x1] =	stream.indirect.gather [hbm4b:s5+s11], $0x40, s25, s11, $0xb8;
	[tilespmem:$0x1DB00] =	vst v63  }
0x1f: {  	s21 =	simm.s32 $0x1F8;
	s22 =	simm.s32 $0x9700  }
0x20: {  	[tilespmem:s22], [sflag:$0x1] =	stream.indirect.gather [hbm4b:s5+s13], $0x40, s21, s13, $0xb8;
	[tilespmem:$0x1DB00] =	vst v63  }
0x21: {  	s23 =	simm.s32 $0x258;
	s24 =	simm.s32 $0xAF00  }
0x22: {  	[tilespmem:s24], [sflag:$0x1] =	stream.indirect.gather [hbm4b:s5+s11], $0x40, s23, s11, $0xb8;
	[tilespmem:$0x1DB00] =	vst v63  }
0x23: {  	s20 =	simm.s32 $0x0;
	s25 =	simm.s32 $0x2C0;
	s26 =	simm.s32 $0xC900  }
0x24: {  	[tilespmem:s26], [sflag:$0x1] =	stream.indirect.gather [hbm4b:s5+s13], $0x40, s25, s13, $0xb8;
	[tilespmem:$0x1DB00] =	vst v63  }
.LBB2_2:
0x25: {  	p0 =	seq.s32 s20, $0x0  }
0x26: {  	s21 =	sshllo.u32 s20, $0x1;
	s22 =	simm.s32 @!p0 $0x4  }
0x27: {  	s23 =	smul.u32 $0xC80, s21;
	_ =	swait.ge @!p0 [sflag:s22], $0xC800  }
0x28: {  	[sflag:s22] =	ssyncset.done @!p0 $0x0  }
0x29: {  	[sflag:s22] =	ssyncadd.s32 @!p0 $0xFFFF3800;
	s22 =	sshra.s32 s23, $0x2  }
0x2a: {  	[tilespmem:s28], [sflag:$0x2] =	stream.indirect.gather [hbm4b:s5+s11], $0x40, s22, s11, $0xb8;
	[tilespmem:$0x1DB00] =	vst v63  }
0x2b: {  	s23 =	sadd.s32 $0x68, s22  }
0x2c: {  	[tilespmem:s29], [sflag:$0x2] =	stream.indirect.gather [hbm4b:s5+s13], $0x40, s23, s13, $0xb8;
	[tilespmem:$0x1DB00] =	vst v63  }
0x2d: {  	s25 =	sadd.s32 $0xC8, s22  }
0x2e: {  	[tilespmem:s30], [sflag:$0x2] =	stream.indirect.gather [hbm4b:s5+s11], $0x40, s25, s11, $0xb8;
	[tilespmem:$0x1DB00] =	vst v63  }
0x2f: {  	s26 =	sadd.s32 $0x130, s22  }
0x30: {  	[tilespmem:s31], [sflag:$0x2] =	stream.indirect.gather [hbm4b:s5+s13], $0x40, s26, s13, $0xb8;
	[tilespmem:$0x1DB00] =	vst v63  }
0x31: {  	s24 =	sadd.s32 $0x190, s22  }
0x32: {  	[tilespmem:s1], [sflag:$0x2] =	stream.indirect.gather [hbm4b:s5+s11], $0x40, s24, s11, $0xb8;
	[tilespmem:$0x1DB00] =	vst v63  }
0x33: {  	s25 =	sadd.s32 $0x1F8, s22  }
0x34: {  	[tilespmem:s0], [sflag:$0x2] =	stream.indirect.gather [hbm4b:s5+s13], $0x40, s25, s13, $0xb8;
	[tilespmem:$0x1DB00] =	vst v63  }
0x35: {  	s26 =	sadd.s32 $0x258, s22  }
0x36: {  	[tilespmem:s10], [sflag:$0x2] =	stream.indirect.gather [hbm4b:s5+s11], $0x40, s26, s11, $0xb8;
	[tilespmem:$0x1DB00] =	vst v63  }
0x37: {  	s22 =	sadd.s32 $0x2C0, s22  }
0x38: {  	[tilespmem:s14], [sflag:$0x2] =	stream.indirect.gather [hbm4b:s5+s13], $0x40, s22, s13, $0xb8;
	[tilespmem:$0x1DB00] =	vst v63  }
0x39: {  	_ =	swait.ge [sflag:s15], $0x3200  }
0x3a: {  	[sflag:s15] =	ssyncset.done $0x0  }
0x3b: {  	[sflag:s15] =	ssyncadd.s32 $0xFFFFCE00  }
0x3c: {  	_ =	swait.ge [sflag:s15], $0x3200  }
0x3d: {  	[sflag:s15] =	ssyncset.done $0x0  }
0x3e: {  	[sflag:s15] =	ssyncadd.s32 $0xFFFFCE00  }
0x3f: {  	_ =	swait.ge [sflag:s15], $0x3200  }
0x40: {  	[sflag:s15] =	ssyncset.done $0x0  }
0x41: {  	[sflag:s15] =	ssyncadd.s32 $0xFFFFCE00  }
0x42: {  	_ =	swait.ge [sflag:s15], $0x3200  }
0x43: {  	[sflag:s15] =	ssyncset.done $0x0  }
0x44: {  	s22 =	simm.s32 $0x0;
	[sflag:s15] =	ssyncadd.s32 $0xFFFFCE00  }
0x45: {  	v1 =	vld [tilespmem:s22+$0x1A900]  }
0x46: {  	v0 =	vld [tilespmem:s22+$0x1900]  }
0x47: {  	v2 =	vld [tilespmem:s22+$0x4B00]  }
0x48: {  	v3 =	vld [tilespmem:s22+$0x7D00]  }
0x49: {  	v4 =	vld [tilespmem:s22+$0xAF00]  }
0x4a: {  	v5 =	vld [tilespmem:s22+$0x1A910]  }
0x4b: {  	v6 =	vld [tilespmem:s22+$0x1910]  }
0x4c: {  	v7 =	vld [tilespmem:s22+$0x4B10]  }
0x4d: {  	v8 =	vld [tilespmem:s22+$0x7D10]  }
0x4e: {  	v9 =	vld [tilespmem:s22+$0x4B20]  }
0x4f: {  	v10 =	vld [tilespmem:s22+$0x1940]  }
0x50: {  	v11 =	vld [tilespmem:s22+$0x4B40];
	v0 =	vadd.f32 v0, v1;
	v2 =	vadd.f32 v2, v1  }
0x51: {  	v3 =	vadd.f32 v3, v1;
	v1 =	vadd.f32 v4, v1;
	v4 =	vld [tilespmem:s22+$0xAF70]  }
0x52: {  	[tilespmem:s22+$0x1900] =	vst v0;
	v0 =	vld [tilespmem:s22+$0x1A970]  }
0x53: {  	[tilespmem:s22+$0x4B00] =	vst v2;
	v2 =	vld [tilespmem:s22+$0xAF10]  }
0x54: {  	[tilespmem:s22+$0x7D00] =	vst v3;
	v3 =	vld [tilespmem:s22+$0x1A920]  }
0x55: {  	[tilespmem:s22+$0xAF00] =	vst v1;
	v1 =	vadd.f32 v6, v5;
	v6 =	vld [tilespmem:s22+$0x1920]  }
0x56: {  	v12 =	vld [tilespmem:s22+$0x7D40];
	v7 =	vadd.f32 v7, v5  }
0x57: {  	[tilespmem:s22+$0x1910] =	vst v1;
	v1 =	vld [tilespmem:s22+$0x7D20];
	v4 =	vadd.f32 v4, v0  }
0x58: {  	v8 =	vadd.f32 v8, v5;
	[tilespmem:s22+$0x4B10] =	vst v7;
	v7 =	vld [tilespmem:s22+$0xAF20]  }
0x59: {  	v2 =	vadd.f32 v2, v5;
	[tilespmem:s22+$0xAF70] =	vst v4;
	v4 =	vld [tilespmem:s22+$0x1A940]  }
0x5a: {  	v13 =	vld [tilespmem:s22+$0xAF40];
	[tilespmem:s22+$0x7D10] =	vst v8;
	v6 =	vadd.f32 v6, v3  }
0x5b: {  	v8 =	vld [tilespmem:s22+$0x1A930];
	v9 =	vadd.f32 v9, v3;
	[tilespmem:s22+$0xAF10] =	vst v2  }
0x5c: {  	v5 =	vld [tilespmem:s22+$0x1A950];
	[tilespmem:s22+$0x1920] =	vst v6;
	v62 =	vadd.f32 v1, v3  }
0x5d: {  	v2 =	vld [tilespmem:s22+$0x1930];
	[tilespmem:s22+$0x4B20] =	vst v9;
	v3 =	vadd.f32 v7, v3  }
0x5e: {  	v6 =	vld [tilespmem:s22+$0xAF50];
	[tilespmem:s22+$0x7D20] =	vst v62;
	v10 =	vadd.f32 v10, v4  }
0x5f: {  	v7 =	vld [tilespmem:s22+$0xAF30];
	[tilespmem:s22+$0xAF20] =	vst v3;
	v11 =	vadd.f32 v11, v4  }
0x60: {  	v14 =	vld [tilespmem:s22+$0x1950];
	v12 =	vadd.f32 v12, v4;
	[tilespmem:s22+$0x1940] =	vst v10  }
0x61: {  	v60 =	vld [tilespmem:s22+$0x4B30];
	v4 =	vadd.f32 v13, v4;
	[tilespmem:s22+$0x4B40] =	vst v11  }
0x62: {  	v15 =	vld [tilespmem:s22+$0x4B50];
	v3 =	vadd.f32 v2, v8;
	[tilespmem:s22+$0x7D40] =	vst v12  }
0x63: {  	v59 =	vld [tilespmem:s22+$0x7D50];
	v6 =	vadd.f32 v6, v5;
	[tilespmem:s22+$0xAF40] =	vst v4  }
0x64: {  	v61 =	vld [tilespmem:s22+$0x7D30];
	v7 =	vadd.f32 v7, v8;
	[tilespmem:s22+$0x1930] =	vst v3  }
0x65: {  	v63 =	vld [tilespmem:s22+$0x1960];
	v4 =	vadd.f32 v14, v5;
	[tilespmem:s22+$0xAF50] =	vst v6  }
0x66: {  	v1 =	vld [tilespmem:s22+$0x1A960];
	v11 =	vadd.f32 v60, v8;
	[tilespmem:s22+$0xAF30] =	vst v7  }
0x67: {  	v2 =	vld [tilespmem:s22+$0x4B60];
	[tilespmem:s22+$0x1950] =	vst v4;
	v4 =	vadd.f32 v15, v5  }
0x68: {  	v3 =	vld [tilespmem:s22+$0x7D60];
	v10 =	vadd.f32 v59, v5;
	[tilespmem:s22+$0x4B30] =	vst v11  }
0x69: {  	v12 =	vadd.f32 v61, v8;
	[tilespmem:s22+$0x4B50] =	vst v4;
	v4 =	vld [tilespmem:s22+$0xAF60]  }
0x6a: {  	[tilespmem:s22+$0x7D50] =	vst v10;
	v5 =	vld [tilespmem:s22+$0x1970]  }
0x6b: {  	s23 =	simm.s32 $0x0;
	s24 =	simm.s32 $0x200;
	v7 =	vadd.f32 v63, v1;
	v6 =	vld [tilespmem:s22+$0x4B70];
	[tilespmem:s22+$0x7D30] =	vst v12  }
.LBB2_3:
0x6c: {  	s25 =	sshra.s32 s24, $0x2;
	v2 =	vadd.f32 v2, v1;
	v8 =	vld [tilespmem:s22+$0x7D70]  }
0x6d: {  	s23 =	sadd.s32 $0x2, s23;
	v9 =	vld [tilespmem:s25+$0x1A970];
	[tilespmem:s22+$0x1960] =	vst v7;
	v3 =	vadd.f32 v3, v1  }
0x6e: {  	p0 =	slt.u32 s23, $0xC6;
	v7 =	vld [tilespmem:s25+$0xAF70];
	[tilespmem:s22+$0x4B60] =	vst v2;
	v1 =	vadd.f32 v4, v1  }
0x6f: {  	v2 =	vld [tilespmem:s25+$0x1A900];
	[tilespmem:s22+$0x7D60] =	vst v3;
	v3 =	vadd.f32 v5, v0  }
0x70: {  	v4 =	vld [tilespmem:s25+$0x1900];
	[tilespmem:s22+$0xAF60] =	vst v1;
	v1 =	vadd.f32 v6, v0  }
0x71: {  	v5 =	vld [tilespmem:s25+$0x4B00];
	[tilespmem:s22+$0x1970] =	vst v3;
	v3 =	vadd.f32 v8, v0  }
0x72: {  	v6 =	vld [tilespmem:s25+$0x7D00];
	[tilespmem:s22+$0x4B70] =	vst v1;
	v0 =	vmov v9  }
0x73: {  	v1 =	vld [tilespmem:s25+$0xAF00];
	v7 =	vadd.f32 v7, v0;
	[tilespmem:s22+$0x7D70] =	vst v3;
	s22 =	smov.u32 s25  }
0x74: {  	v3 =	vld [tilespmem:s22+$0x1A910]  }
0x75: {  	v4 =	vadd.f32 v4, v2;
	v8 =	vld [tilespmem:s22+$0x1910];
	[tilespmem:s22+$0xAF70] =	vst v7  }
0x76: {  	v5 =	vadd.f32 v5, v2;
	v7 =	vld [tilespmem:s22+$0x4B10]  }
0x77: {  	[tilespmem:s22+$0x1900] =	vst v4;
	v4 =	vadd.f32 v6, v2;
	v6 =	vld [tilespmem:s22+$0x7D10]  }
0x78: {  	[tilespmem:s22+$0x4B00] =	vst v5;
	v1 =	vadd.f32 v1, v2;
	v2 =	vld [tilespmem:s22+$0xAF10]  }
0x79: {  	[tilespmem:s22+$0x7D00] =	vst v4;
	v4 =	vld [tilespmem:s22+$0x1A920]  }
0x7a: {  	[tilespmem:s22+$0xAF00] =	vst v1;
	v1 =	vadd.f32 v8, v3;
	v5 =	vld [tilespmem:s22+$0x1920]  }
0x7b: {  	v7 =	vadd.f32 v7, v3;
	v8 =	vld [tilespmem:s22+$0x4B20]  }
0x7c: {  	[tilespmem:s22+$0x1910] =	vst v1;
	v1 =	vadd.f32 v6, v3;
	v6 =	vld [tilespmem:s22+$0x7D20]  }
0x7d: {  	[tilespmem:s22+$0x4B10] =	vst v7;
	v2 =	vadd.f32 v2, v3;
	v3 =	vld [tilespmem:s22+$0xAF20]  }
0x7e: {  	[tilespmem:s22+$0x7D10] =	vst v1;
	v1 =	vld [tilespmem:s22+$0x1A930]  }
0x7f: {  	[tilespmem:s22+$0xAF10] =	vst v2;
	v2 =	vadd.f32 v5, v4;
	v5 =	vld [tilespmem:s22+$0x1930]  }
0x80: {  	v7 =	vadd.f32 v8, v4;
	v8 =	vld [tilespmem:s22+$0x4B30]  }
0x81: {  	[tilespmem:s22+$0x1920] =	vst v2;
	v2 =	vadd.f32 v6, v4;
	v6 =	vld [tilespmem:s22+$0x7D30]  }
0x82: {  	[tilespmem:s22+$0x4B20] =	vst v7;
	v3 =	vadd.f32 v3, v4;
	v4 =	vld [tilespmem:s22+$0xAF30]  }
0x83: {  	[tilespmem:s22+$0x7D20] =	vst v2;
	v2 =	vld [tilespmem:s22+$0x1A940]  }
0x84: {  	[tilespmem:s22+$0xAF20] =	vst v3;
	v3 =	vadd.f32 v5, v1;
	v5 =	vld [tilespmem:s22+$0x1940]  }
0x85: {  	v7 =	vadd.f32 v8, v1;
	v8 =	vld [tilespmem:s22+$0x4B40]  }
0x86: {  	[tilespmem:s22+$0x1930] =	vst v3;
	v3 =	vadd.f32 v6, v1;
	v6 =	vld [tilespmem:s22+$0x7D40]  }
0x87: {  	[tilespmem:s22+$0x4B30] =	vst v7;
	v1 =	vadd.f32 v4, v1;
	v4 =	vld [tilespmem:s22+$0xAF40]  }
0x88: {  	[tilespmem:s22+$0x7D30] =	vst v3;
	v7 =	vld [tilespmem:s22+$0x1A950]  }
0x89: {  	[tilespmem:s22+$0xAF30] =	vst v1;
	v1 =	vadd.f32 v5, v2;
	v3 =	vld [tilespmem:s22+$0x1950]  }
0x8a: {  	v5 =	vadd.f32 v8, v2;
	v8 =	vld [tilespmem:s22+$0x4B50]  }
0x8b: {  	[tilespmem:s22+$0x1940] =	vst v1;
	v1 =	vadd.f32 v6, v2;
	v6 =	vld [tilespmem:s22+$0x7D50]  }
0x8c: {  	[tilespmem:s22+$0x4B40] =	vst v5;
	v2 =	vadd.f32 v4, v2;
	v4 =	vld [tilespmem:s22+$0xAF50]  }
0x8d: {  	[tilespmem:s22+$0x7D40] =	vst v1;
	v1 =	vld [tilespmem:s22+$0x1A960]  }
0x8e: {  	[tilespmem:s22+$0xAF40] =	vst v2;
	v3 =	vadd.f32 v3, v7;
	v9 =	vld [tilespmem:s22+$0x1960]  }
.Ltmp0:
0x8f: {  	v5 =	vadd.f32 v8, v7;
	v2 =	vld [tilespmem:s22+$0x4B60];
	(pc) =	sbr.rel @p0 .LBB2_3-.Ltmp0, $4  }
0x90: {  	[tilespmem:s22+$0x1950] =	vst v3;
	v6 =	vadd.f32 v6, v7;
	v3 =	vld [tilespmem:s22+$0x7D60]  }
0x91: {  	[tilespmem:s22+$0x4B50] =	vst v5;
	v7 =	vadd.f32 v4, v7;
	v4 =	vld [tilespmem:s22+$0xAF60]  }
0x92: {  	[tilespmem:s22+$0x7D50] =	vst v6;
	v5 =	vld [tilespmem:s22+$0x1970]  }
0x93: {  	s24 =	sadd.s32 $0x200, s24;
	[tilespmem:s22+$0xAF50] =	vst v7;
	v7 =	vadd.f32 v9, v1;
	v6 =	vld [tilespmem:s22+$0x4B70]  }
0x94: {  	v2 =	vadd.f32 v2, v1;
	v8 =	vld [tilespmem:s22+$0x7D70]  }
0x95: {  	[tilespmem:s22+$0x1960] =	vst v7;
	v3 =	vadd.f32 v3, v1  }
0x96: {  	[tilespmem:s22+$0x4B60] =	vst v2;
	v1 =	vadd.f32 v4, v1  }
0x97: {  	s23 =	sshll.u32 s20, $0x3;
	[tilespmem:s22+$0x7D60] =	vst v3;
	v2 =	vadd.f32 v5, v0  }
0x98: {  	s23 =	sadd.s32 s3, s23;
	[tilespmem:s22+$0xAF60] =	vst v1;
	v1 =	vadd.f32 v6, v0  }
0x99: {  	s23 =	smul.u32 $0x640, s23;
	[tilespmem:s22+$0x1970] =	vst v2;
	v0 =	vadd.f32 v8, v0  }
0x9a: {  	p0 =	seq.s32 s20, $0x3;
	[tilespmem:s22+$0x4B70] =	vst v1  }
0x9b: {  	s26 =	sadd.s32 s2, s23;
	[tilespmem:s22+$0x7D70] =	vst v0;
	s22 =	simm.s32 @!p0 $0x3  }
0x9c: {  	[hbm4b:s26+s4] =	stream.linear.scatter [tilespmem:s12], [sflag:$0x3], $0xC800, $0x38;
	[tilespmem:$0x1DB00] =	vst v63  }
0x9d: {  	s23 =	smul.u32 @!p0 $0x1900, s20;
	_ =	swait.ge @!p0 [sflag:s22], $0xC800  }
0x9e: {  	[sflag:s22] =	ssyncset.done @!p0 $0x0  }
0x9f: {  	[sflag:s22] =	ssyncadd.s32 @!p0 $0xFFFF3800;
	s22 =	sshra.s32 @!p0 s23, $0x2  }
0xa0: {  	s24 =	simm.s32 @!p0 $0x68;
	s25 =	simm.s32 @!p0 $0x1900;
	s23 =	sadd.s32 @!p0 $0x640, s22  }
0xa1: {  	[tilespmem:s25], [sflag:$0x1] =	stream.indirect.gather @!p0 [hbm4b:s5+s24], $0x40, s23, s24, $0xb8;
	[tilespmem:$0x1DB00] =	vst v63  }
0xa2: {  	s26 =	simm.s32 @!p0 $0x3300;
	s23 =	sadd.s32 @!p0 $0x6A8, s22;
	s25 =	simm.s32 @!p0 $0x60  }
0xa3: {  	[tilespmem:s26], [sflag:$0x1] =	stream.indirect.gather @!p0 [hbm4b:s5+s25], $0x40, s23, s25, $0xb8;
	[tilespmem:$0x1DB00] =	vst v63  }
0xa4: {  	s23 =	sadd.s32 @!p0 $0x708, s22;
	s26 =	simm.s32 @!p0 $0x4B00  }
0xa5: {  	[tilespmem:s26], [sflag:$0x1] =	stream.indirect.gather @!p0 [hbm4b:s5+s24], $0x40, s23, s24, $0xb8;
	[tilespmem:$0x1DB00] =	vst v63  }
0xa6: {  	s23 =	sadd.s32 @!p0 $0x770, s22;
	s26 =	simm.s32 @!p0 $0x6500  }
0xa7: {  	[tilespmem:s26], [sflag:$0x1] =	stream.indirect.gather @!p0 [hbm4b:s5+s25], $0x40, s23, s25, $0xb8;
	[tilespmem:$0x1DB00] =	vst v63  }
0xa8: {  	s23 =	sadd.s32 @!p0 $0x7D0, s22;
	s26 =	simm.s32 @!p0 $0x7D00  }
0xa9: {  	[tilespmem:s26], [sflag:$0x1] =	stream.indirect.gather @!p0 [hbm4b:s5+s24], $0x40, s23, s24, $0xb8;
	[tilespmem:$0x1DB00] =	vst v63  }
0xaa: {  	s23 =	sadd.s32 @!p0 $0x838, s22;
	s26 =	simm.s32 @!p0 $0x9700  }
0xab: {  	[tilespmem:s26], [sflag:$0x1] =	stream.indirect.gather @!p0 [hbm4b:s5+s25], $0x40, s23, s25, $0xb8;
	[tilespmem:$0x1DB00] =	vst v63  }
0xac: {  	s23 =	sadd.s32 @!p0 $0x898, s22;
	s26 =	simm.s32 @!p0 $0xAF00  }
0xad: {  	[tilespmem:s26], [sflag:$0x1] =	stream.indirect.gather @!p0 [hbm4b:s5+s24], $0x40, s23, s24, $0xb8;
	[tilespmem:$0x1DB00] =	vst v63  }
0xae: {  	s22 =	sadd.s32 @!p0 $0x900, s22;
	s23 =	simm.s32 @!p0 $0xC900  }
0xaf: {  	[tilespmem:s23], [sflag:$0x1] =	stream.indirect.gather @!p0 [hbm4b:s5+s25], $0x40, s22, s25, $0xb8;
	[tilespmem:$0x1DB00] =	vst v63  }
0xb0: {  	_ =	swait.ge [sflag:s16], $0x3200  }
0xb1: {  	[sflag:s16] =	ssyncset.done $0x0  }
0xb2: {  	[sflag:s16] =	ssyncadd.s32 $0xFFFFCE00  }
0xb3: {  	_ =	swait.ge [sflag:s16], $0x3200  }
0xb4: {  	[sflag:s16] =	ssyncset.done $0x0  }
0xb5: {  	[sflag:s16] =	ssyncadd.s32 $0xFFFFCE00  }
0xb6: {  	_ =	swait.ge [sflag:s16], $0x3200  }
0xb7: {  	[sflag:s16] =	ssyncset.done $0x0  }
0xb8: {  	[sflag:s16] =	ssyncadd.s32 $0xFFFFCE00  }
0xb9: {  	_ =	swait.ge [sflag:s16], $0x3200  }
0xba: {  	[sflag:s16] =	ssyncset.done $0x0  }
0xbb: {  	s22 =	simm.s32 $0x0;
	[sflag:s16] =	ssyncadd.s32 $0xFFFFCE00  }
0xbc: {  	v1 =	vld [tilespmem:s22+$0x1A900]  }
0xbd: {  	v0 =	vld [tilespmem:s22+$0xE100]  }
0xbe: {  	v2 =	vld [tilespmem:s22+$0x11300]  }
0xbf: {  	v3 =	vld [tilespmem:s22+$0x14500]  }
0xc0: {  	v4 =	vld [tilespmem:s22+$0x17700]  }
0xc1: {  	v5 =	vld [tilespmem:s22+$0x1A910]  }
0xc2: {  	v6 =	vld [tilespmem:s22+$0xE110]  }
0xc3: {  	v7 =	vld [tilespmem:s22+$0x11310]  }
0xc4: {  	v8 =	vld [tilespmem:s22+$0x14510]  }
0xc5: {  	v9 =	vld [tilespmem:s22+$0x11320]  }
0xc6: {  	v10 =	vld [tilespmem:s22+$0xE140]  }
0xc7: {  	v11 =	vld [tilespmem:s22+$0x11340];
	v0 =	vadd.f32 v0, v1;
	v2 =	vadd.f32 v2, v1  }
0xc8: {  	v3 =	vadd.f32 v3, v1;
	v1 =	vadd.f32 v4, v1;
	v4 =	vld [tilespmem:s22+$0x17770]  }
0xc9: {  	[tilespmem:s22+$0xE100] =	vst v0;
	v0 =	vld [tilespmem:s22+$0x1A970]  }
0xca: {  	[tilespmem:s22+$0x11300] =	vst v2;
	v2 =	vld [tilespmem:s22+$0x17710]  }
0xcb: {  	[tilespmem:s22+$0x14500] =	vst v3;
	v3 =	vld [tilespmem:s22+$0x1A920]  }
0xcc: {  	[tilespmem:s22+$0x17700] =	vst v1;
	v1 =	vadd.f32 v6, v5;
	v6 =	vld [tilespmem:s22+$0xE120]  }
0xcd: {  	v12 =	vld [tilespmem:s22+$0x14540];
	v7 =	vadd.f32 v7, v5  }
0xce: {  	[tilespmem:s22+$0xE110] =	vst v1;
	v1 =	vld [tilespmem:s22+$0x14520];
	v4 =	vadd.f32 v4, v0  }
0xcf: {  	v8 =	vadd.f32 v8, v5;
	[tilespmem:s22+$0x11310] =	vst v7;
	v7 =	vld [tilespmem:s22+$0x17720]  }
0xd0: {  	v2 =	vadd.f32 v2, v5;
	[tilespmem:s22+$0x17770] =	vst v4;
	v4 =	vld [tilespmem:s22+$0x1A940]  }
0xd1: {  	v13 =	vld [tilespmem:s22+$0x17740];
	[tilespmem:s22+$0x14510] =	vst v8;
	v6 =	vadd.f32 v6, v3  }
0xd2: {  	v8 =	vld [tilespmem:s22+$0x1A930];
	v9 =	vadd.f32 v9, v3;
	[tilespmem:s22+$0x17710] =	vst v2  }
0xd3: {  	v5 =	vld [tilespmem:s22+$0x1A950];
	[tilespmem:s22+$0xE120] =	vst v6;
	v62 =	vadd.f32 v1, v3  }
0xd4: {  	v2 =	vld [tilespmem:s22+$0xE130];
	[tilespmem:s22+$0x11320] =	vst v9;
	v3 =	vadd.f32 v7, v3  }
0xd5: {  	v6 =	vld [tilespmem:s22+$0x17750];
	[tilespmem:s22+$0x14520] =	vst v62;
	v10 =	vadd.f32 v10, v4  }
0xd6: {  	v7 =	vld [tilespmem:s22+$0x17730];
	[tilespmem:s22+$0x17720] =	vst v3;
	v11 =	vadd.f32 v11, v4  }
0xd7: {  	v14 =	vld [tilespmem:s22+$0xE150];
	v12 =	vadd.f32 v12, v4;
	[tilespmem:s22+$0xE140] =	vst v10  }
0xd8: {  	v60 =	vld [tilespmem:s22+$0x11330];
	v4 =	vadd.f32 v13, v4;
	[tilespmem:s22+$0x11340] =	vst v11  }
0xd9: {  	v15 =	vld [tilespmem:s22+$0x11350];
	v3 =	vadd.f32 v2, v8;
	[tilespmem:s22+$0x14540] =	vst v12  }
0xda: {  	v59 =	vld [tilespmem:s22+$0x14550];
	v6 =	vadd.f32 v6, v5;
	[tilespmem:s22+$0x17740] =	vst v4  }
0xdb: {  	v61 =	vld [tilespmem:s22+$0x14530];
	v7 =	vadd.f32 v7, v8;
	[tilespmem:s22+$0xE130] =	vst v3  }
0xdc: {  	v63 =	vld [tilespmem:s22+$0xE160];
	v4 =	vadd.f32 v14, v5;
	[tilespmem:s22+$0x17750] =	vst v6  }
0xdd: {  	v1 =	vld [tilespmem:s22+$0x1A960];
	v11 =	vadd.f32 v60, v8;
	[tilespmem:s22+$0x17730] =	vst v7  }
0xde: {  	v2 =	vld [tilespmem:s22+$0x11360];
	[tilespmem:s22+$0xE150] =	vst v4;
	v4 =	vadd.f32 v15, v5  }
0xdf: {  	v3 =	vld [tilespmem:s22+$0x14560];
	v10 =	vadd.f32 v59, v5;
	[tilespmem:s22+$0x11330] =	vst v11  }
0xe0: {  	v12 =	vadd.f32 v61, v8;
	[tilespmem:s22+$0x11350] =	vst v4;
	v4 =	vld [tilespmem:s22+$0x17760]  }
0xe1: {  	[tilespmem:s22+$0x14550] =	vst v10;
	v5 =	vld [tilespmem:s22+$0xE170]  }
0xe2: {  	s24 =	simm.s32 $0x200;
	s23 =	simm.s32 $0x0;
	v7 =	vadd.f32 v63, v1;
	v6 =	vld [tilespmem:s22+$0x11370];
	[tilespmem:s22+$0x14530] =	vst v12  }
.LBB2_5:
0xe3: {  	s25 =	sshra.s32 s24, $0x2;
	v2 =	vadd.f32 v2, v1;
	v8 =	vld [tilespmem:s22+$0x14570]  }
0xe4: {  	s23 =	sadd.s32 $0x2, s23;
	v9 =	vld [tilespmem:s25+$0x1A970];
	[tilespmem:s22+$0xE160] =	vst v7;
	v3 =	vadd.f32 v3, v1  }
0xe5: {  	p0 =	slt.u32 s23, $0xC6;
	v7 =	vld [tilespmem:s25+$0x17770];
	[tilespmem:s22+$0x11360] =	vst v2;
	v1 =	vadd.f32 v4, v1  }
0xe6: {  	v2 =	vld [tilespmem:s25+$0x1A900];
	[tilespmem:s22+$0x14560] =	vst v3;
	v3 =	vadd.f32 v5, v0  }
0xe7: {  	v4 =	vld [tilespmem:s25+$0xE100];
	[tilespmem:s22+$0x17760] =	vst v1;
	v1 =	vadd.f32 v6, v0  }
0xe8: {  	v5 =	vld [tilespmem:s25+$0x11300];
	[tilespmem:s22+$0xE170] =	vst v3;
	v3 =	vadd.f32 v8, v0  }
0xe9: {  	v6 =	vld [tilespmem:s25+$0x14500];
	[tilespmem:s22+$0x11370] =	vst v1;
	v0 =	vmov v9  }
0xea: {  	v1 =	vld [tilespmem:s25+$0x17700];
	v7 =	vadd.f32 v7, v0;
	[tilespmem:s22+$0x14570] =	vst v3;
	s22 =	smov.u32 s25  }
0xeb: {  	v3 =	vld [tilespmem:s22+$0x1A910]  }
0xec: {  	v4 =	vadd.f32 v4, v2;
	v8 =	vld [tilespmem:s22+$0xE110];
	[tilespmem:s22+$0x17770] =	vst v7  }
0xed: {  	v5 =	vadd.f32 v5, v2;
	v7 =	vld [tilespmem:s22+$0x11310]  }
0xee: {  	[tilespmem:s22+$0xE100] =	vst v4;
	v4 =	vadd.f32 v6, v2;
	v6 =	vld [tilespmem:s22+$0x14510]  }
0xef: {  	[tilespmem:s22+$0x11300] =	vst v5;
	v1 =	vadd.f32 v1, v2;
	v2 =	vld [tilespmem:s22+$0x17710]  }
0xf0: {  	[tilespmem:s22+$0x14500] =	vst v4;
	v4 =	vld [tilespmem:s22+$0x1A920]  }
0xf1: {  	[tilespmem:s22+$0x17700] =	vst v1;
	v1 =	vadd.f32 v8, v3;
	v5 =	vld [tilespmem:s22+$0xE120]  }
0xf2: {  	v7 =	vadd.f32 v7, v3;
	v8 =	vld [tilespmem:s22+$0x11320]  }
0xf3: {  	[tilespmem:s22+$0xE110] =	vst v1;
	v1 =	vadd.f32 v6, v3;
	v6 =	vld [tilespmem:s22+$0x14520]  }
0xf4: {  	[tilespmem:s22+$0x11310] =	vst v7;
	v2 =	vadd.f32 v2, v3;
	v3 =	vld [tilespmem:s22+$0x17720]  }
0xf5: {  	[tilespmem:s22+$0x14510] =	vst v1;
	v1 =	vld [tilespmem:s22+$0x1A930]  }
0xf6: {  	[tilespmem:s22+$0x17710] =	vst v2;
	v2 =	vadd.f32 v5, v4;
	v5 =	vld [tilespmem:s22+$0xE130]  }
0xf7: {  	v7 =	vadd.f32 v8, v4;
	v8 =	vld [tilespmem:s22+$0x11330]  }
0xf8: {  	[tilespmem:s22+$0xE120] =	vst v2;
	v2 =	vadd.f32 v6, v4;
	v6 =	vld [tilespmem:s22+$0x14530]  }
0xf9: {  	[tilespmem:s22+$0x11320] =	vst v7;
	v3 =	vadd.f32 v3, v4;
	v4 =	vld [tilespmem:s22+$0x17730]  }
0xfa: {  	[tilespmem:s22+$0x14520] =	vst v2;
	v2 =	vld [tilespmem:s22+$0x1A940]  }
0xfb: {  	[tilespmem:s22+$0x17720] =	vst v3;
	v3 =	vadd.f32 v5, v1;
	v5 =	vld [tilespmem:s22+$0xE140]  }
0xfc: {  	v7 =	vadd.f32 v8, v1;
	v8 =	vld [tilespmem:s22+$0x11340]  }
0xfd: {  	[tilespmem:s22+$0xE130] =	vst v3;
	v3 =	vadd.f32 v6, v1;
	v6 =	vld [tilespmem:s22+$0x14540]  }
0xfe: {  	[tilespmem:s22+$0x11330] =	vst v7;
	v1 =	vadd.f32 v4, v1;
	v4 =	vld [tilespmem:s22+$0x17740]  }
0xff: {  	[tilespmem:s22+$0x14530] =	vst v3;
	v7 =	vld [tilespmem:s22+$0x1A950]  }
0x100: {  	[tilespmem:s22+$0x17730] =	vst v1;
	v1 =	vadd.f32 v5, v2;
	v3 =	vld [tilespmem:s22+$0xE150]  }
0x101: {  	v5 =	vadd.f32 v8, v2;
	v8 =	vld [tilespmem:s22+$0x11350]  }
0x102: {  	[tilespmem:s22+$0xE140] =	vst v1;
	v1 =	vadd.f32 v6, v2;
	v6 =	vld [tilespmem:s22+$0x14550]  }
0x103: {  	[tilespmem:s22+$0x11340] =	vst v5;
	v2 =	vadd.f32 v4, v2;
	v4 =	vld [tilespmem:s22+$0x17750]  }
0x104: {  	[tilespmem:s22+$0x14540] =	vst v1;
	v1 =	vld [tilespmem:s22+$0x1A960]  }
0x105: {  	[tilespmem:s22+$0x17740] =	vst v2;
	v3 =	vadd.f32 v3, v7;
	v9 =	vld [tilespmem:s22+$0xE160]  }
.Ltmp1:
0x106: {  	v5 =	vadd.f32 v8, v7;
	v2 =	vld [tilespmem:s22+$0x11360];
	(pc) =	sbr.rel @p0 .LBB2_5-.Ltmp1, $4  }
0x107: {  	[tilespmem:s22+$0xE150] =	vst v3;
	v6 =	vadd.f32 v6, v7;
	v3 =	vld [tilespmem:s22+$0x14560]  }
0x108: {  	[tilespmem:s22+$0x11350] =	vst v5;
	v7 =	vadd.f32 v4, v7;
	v4 =	vld [tilespmem:s22+$0x17760]  }
0x109: {  	[tilespmem:s22+$0x14550] =	vst v6;
	v5 =	vld [tilespmem:s22+$0xE170]  }
0x10a: {  	s24 =	sadd.s32 $0x200, s24;
	[tilespmem:s22+$0x17750] =	vst v7;
	v7 =	vadd.f32 v9, v1;
	v6 =	vld [tilespmem:s22+$0x11370]  }
0x10b: {  	v2 =	vadd.f32 v2, v1;
	v8 =	vld [tilespmem:s22+$0x14570]  }
0x10c: {  	[tilespmem:s22+$0xE160] =	vst v7;
	v3 =	vadd.f32 v3, v1  }
0x10d: {  	s20 =	sadd.s32 $0x1, s20;
	[tilespmem:s22+$0x11360] =	vst v2;
	v60 =	vadd.f32 v4, v1  }
0x10e: {  	s21 =	sshll.u32 s21, $0x2;
	p0 =	sne.s32 s20, $0x4;
	[tilespmem:s22+$0x14560] =	vst v3;
	v61 =	vadd.f32 v5, v0  }
.Ltmp2:
0x10f: {  	s21 =	sadd.s32 s3, s21;
	[tilespmem:s22+$0x17760] =	vst v60;
	v62 =	vadd.f32 v6, v0;
	(pc) =	sbr.rel @p0 .LBB2_2-.Ltmp2, $4  }
0x110: {  	s21 =	smul.u32 $0x640, s21;
	[tilespmem:s22+$0xE170] =	vst v61;
	v63 =	vadd.f32 v8, v0  }
0x111: {  	[tilespmem:s22+$0x11370] =	vst v62  }
0x112: {  	s21 =	sadd.s32 s2, s21;
	[tilespmem:s22+$0x14570] =	vst v63  }
0x113: {  	[hbm4b:s21+s4] =	stream.linear.scatter [tilespmem:s28], [sflag:$0x4], $0xC800, $0x38;
	[tilespmem:$0x1DB00] =	vst v63  }
0x114: {  	s19 =	sadd.s32 $0x1, s19  }
0x115: {  	_ =	swait.ge [sflag:s17], $0xC800;
	p0 =	sne.s32 s19, s8  }
.Ltmp3:
0x116: {  	[sflag:s17] =	ssyncset.done $0x0;
	(pc) =	sbr.rel @p0 .LBB2_1-.Ltmp3, $4  }
0x117: {  	[sflag:s17] =	ssyncadd.s32 $0xFFFF3800  }
0x118: {  	_ =	swait.ge [sflag:s18], $0xC800  }
0x119: {  	[sflag:s18] =	ssyncset.done $0x0  }
0x11a: {  	[sflag:s18] =	ssyncadd.s32 $0xFFFF3800  }
0x11b: {  	_ =	sfence.sel $0x180000  }
0x11c: {  	[bflag:$0x0] =	sbarrier.arrive $0xFFFF  }
0x11d: {  	_ =	strace $0x90000047  }
0x11e: {  	s0 =	stileid.u32;
	[bflag:$0x2] =	sbarrier.arrive $0xFFFF  }
0x11f: {  	p0 =	sne.s32 s0, $0x0;
	s0 =	rddreg [dreg:$0x2]  }
0x120: {  	s0 =	sadd.s32 @!p0 $0x100000, s0  }
0x121: {  	[sflag:s0] =	ssyncadd.tile.s32 @!p0 $0x1;
	_ =	shalt  }
.Lfunc_end2:
_tile_overlayer_lowered:
.L_overlay_start_2:
0x122: {  	(tag) =	ssettag $0x2  }
0x123: {  	s0 =	rddreg [dreg:$0x0];
	s2 =	stileid.u32  }
0x124: {  	s1 =	rddreg [dreg:$0x1];
	p0 =	sne.s32 s2, $0x0  }
0x125: {  	s3 =	rddreg [dreg:$0x2];
	[bflag:$0x3] =	sbarrier.arrive $0xFFFF;
	s2 =	simm.s32 @!p0 $0x1C05  }
0x126: {  	[timem:s3], [sflag:s2] =	dma.local @!p0 [hbm:s0], s1  }
0x127: {  	s0 =	simm.s32 @!p0 $0x5  }
0x128: {  	_ =	swait.ge @!p0 [sflag:s0], s1  }
0x129: {  	s1 =	ssub.s32 @!p0 $0x0, s1;
	[sflag:s0] =	ssyncset.done @!p0 $0x0  }
0x12a: {  	[sflag:s0] =	ssyncadd.s32 @!p0 s1  }
0x12b: {  	[bflag:$0x3] =	sbarrier.arrive $0xFFFF  }
0x12c: {  	_ =	shalt  }

// kernel: sparse-core-data-format-call.cloned.1.call-start
scs
called_computation_lowered:
.L_overlay_start_0:
0x0: {  	s2 =	sld [smem:$0x3FD9]  }
0x1: {  	s3 =	sld [smem:$0x3FFE];
	_ =	sdelay $0x1  }
0x2: {  	s1 =	srdreg.scid  }
0x3: {  	s0 =	sand.u32 $0x1, s1  }
0x4: {  	s18 =	sshll.u32 s0, $0xA;
	s2 =	sadd.s32 s3, s2  }
0x5: {  	s2 =	sadd.s32 s2, s18  }
0x6: {  	[smem:$0x3FC5] =	sst s2  }
0x7: {  	_ = 	snop  }
0x8: {  	s2 =	sld [smem:$0x3FD0];
	(tm) =	ssettm $0x1  }
0x9: {  	s19 =	sld [smem:$0x3FFB];
	_ =	sdelay $0x3  }
0xa: {  	_ =	strace s19  }
0xb: {  	s3 =	sld [smem:$0x3FFC];
	_ =	sdelay $0x3  }
0xc: {  	_ =	strace s3  }
0xd: {  	s3 =	sld [smem:$0x3FFD];
	_ =	sdelay $0x3  }
0xe: {  	_ =	strace s3  }
0xf: {  	_ =	strace $0x8FFFFFFF  }
0x10: {  	s20 =	sld [smem:$0x3FDB];
	_ =	sdelay $0x1  }
0x11: {  	s4 =	simm.s32 $_scs_section_size  }
0x12: {  	s5 =	simm.s32 $_size__tile_overlayer_lowered;
	s6 =	simm.s32 $_tile_overlayer_lowered  }
0x13: {  	s23 =	simm.s32 $0x1BFF;
	s22 =	sshll.u32 s6, $0x1;
	s3 =	sadd.s32 s4, s20  }
0x14: {  	s7 =	simm.s32 $0x0;
	s21 =	sshll.u32 s5, $0x1;
	s5 =	sadd.s32 s22, s3  }
0x15: {  	[timem:s7], [sflag:s23] =	dma.local [hbm:s5], s21  }
0x16: {  	_ =	swait.ge [sflag:s23], s21  }
0x17: {  	s4 =	ssub.s32 $0x0, s21;
	[sflag:s23] =	ssyncset.done $0x0  }
0x18: {  	[sflag:s23] =	ssyncadd.s32 s4;
	_ =	sdelay $0x1  }
0x19: {  	s24 =	simm.s32 $0x1B8B  }
0x1a: {  	_ =	swait.ge [sflag:s24], $0x1  }
0x1b: {  	[sflag:s24] =	ssyncset.done $0x0  }
0x1c: {  	s26 =	simm.s32 $0x1B8E;
	s25 =	sld [smem:$0x3FFE];
	[sflag:s24] =	ssyncadd.s32 $0xFFFFFFFF  }
0x1d: {  	s27 =	simm.s32 $execute0_lowered;
	[smem:$0x3FD2] =	sst s26  }
0x1e: {  	s5 =	sshll.u32 s27, $0x1;
	_ =	strace $0x80000049;
	[dreg:$0x1] =	wrdreg $0xFFFFFFFF  }
0x1f: {  	s28 =	simm.s32 $_size_execute0_lowered;
	s3 =	sadd.s32 s3, s5;
	[dreg:$0x0] =	wrdreg $0x0  }
0x20: {  	s5 =	sshll.u32 s28, $0x1;
	[dreg:$0x2] =	wrdreg s3  }
0x21: {  	[dreg:$0x3] =	wrdreg s5  }
0x22: {  	[dreg:$0x4] =	wrdreg $0xC0  }
0x23: {  	_ =	task [dreg:s7], $0x5FFFF  }
0x24: {  	[dreg:$0x1] =	wrdreg $0xFFFFFFFF  }
0x25: {  	[dreg:$0x0] =	wrdreg $0x60  }
0x26: {  	[dreg:$0x2] =	wrdreg s25  }
0x27: {  	[dreg:$0x3] =	wrdreg s2  }
0x28: {  	[dreg:$0x4] =	wrdreg $0x9  }
0x29: {  	_ =	task.clear_ibuf [dreg:s7], $0x5FFFF;
	_ =	strace $0x90000049  }
0x2a: {  	s29 =	simm.s32 $0x9;
	_ =	strace $0x8000004B  }
0x2b: {  	_ =	swait.ge [sflag:s29], $0x1  }
0x2c: {  	[sflag:s29] =	ssyncadd.s32 $0xFFFFFFFF  }
0x2d: {  	_ =	strace $0x9000004B  }
0x2e: {  	_ =	sfence  }
0x2f: {  	s30 =	sld [smem:$0x0];
	_ =	sdelay $0x2  }
0x30: {  	s31 =	sshll.u32 s1, $0xD;
	s1 =	sshrl.u32 s1, $0x2  }
0x31: {  	s3 =	sand.u32 $0x4000, s31;
	s1 =	sadd.s32 s1, s30  }
0x32: {  	s0 =	sor.u32 s3, s0;
	s1 =	sshll.u32 s1, $0x11  }
0x33: {  	s0 =	sor.u32 s1, s0  }
0x34: {  	s0 =	sadd.s32 $0x8F2B, s0  }
0x35: {  	[sflag:s0] =	ssyncadd.remote.s32 $0x1  }
0x36: {  	_ =	sfence.sel $0xFFFF  }
0x37: {  	[dreg:$0x0] =	wrdreg $0xFFFFFFFF;
	(pc) =	sbr.abs _section_cstart, $3  }
0x38: {  	[dreg:$0x1] =	wrdreg $0xFFFFFFFF  }
0x39: {  	_ =	task.clear_ibuf [dreg:s7], $0x2FFFF;
	_ =	strace $0x9FFFFFFF  }
0x3a: {  	(tm) =	ssettm $0x7FFFFFFF  }
0x3b: {  	_ =	shalt  }
tec
execute0_lowered:
.L_overlay_start_1:
0x0: {  	(tag) =	ssettag $0x1  }
0x1: {  	s0 =	stileid.u32;
	s6 =	rddreg [dreg:$0x0]  }
0x2: {  	s2 =	rddreg [dreg:$0x1];
	s5 =	srdreg.scid  }
0x3: {  	s31 =	simm.s32 $0x2;
	s13 =	simm.s32 $0x0;
	s1 =	sshll.u32 s0, $0x7  }
0x4: {  	s14 =	simm.s32 $0x0;
	s12 =	simm.s32 $0x0;
	s3 =	sand.u32 $0x380, s1  }
0x5: {  	s5 =	sshll.u32 s5, $0x4;
	s6 =	sadd.s32 $0xC00, s6;
	s4 =	ssub.s32 $0x400, s3  }
0x6: {  	s1 =	rddreg [dreg:$0x2];
	_ =	strace $0x8000004A;
	s7 =	sand.u32 $0x380, s4  }
0x7: {  	s5 =	sand.u32 $0x10, s5;
	p0 =	sne.s32 s7, $0x0;
	s7 =	simm.s32 $0x1  }
.Ltmp0:
0x8: {  	s8 =	sshrl.u32 s4, $0xA;
	s7 =	simm.s32 @!p0 $0x0;
	(pc) =	sbr.rel .LBB1_1-.Ltmp0, $4  }
0x9: {  	s9 =	sor.u32 s0, s5;
	s4 =	simm.s32 $0x1;
	s30 =	sadd.s32 s7, s8  }
0xa: {  	s11 =	smov.u32 s3;
	[sflag:s4] =	ssyncpa.u1 $0x0;
	s5 =	smul.u32 $0x32, s30  }
0xb: {  	[sflag:s31] =	ssyncpa.u1 $0x0;
	p0 =	por $0x0, $0x0;
	s7 =	sshrl.u32 s9, $0x3  }
0xc: {  	s9 =	simm.s32 $0x2000;
	s10 =	smov.u32 s7;
	s8 =	sor.u32 $0x1, s5  }
.LBB1_4:
0xd: {  	s17 =	sand.u32 $0x1F80, s14;
	s13 =	sshll.u32 s13, $0xD  }
0xe: {  	[tilespmem:s16+$0x810 ss:$0x81] =	vst.msk $0xffff, v2;
	s18 =	sshrl.u32 s14, $0x3;
	s31 =	sand.u32 $0x7, s14;
	s17 =	sadd.s32 s2, s17  }
0xf: {  	[tilespmem:s16+$0x1020 ss:$0x81] =	vst.msk $0xffff, v0;
	s18 =	sand.u32 $0xF, s18;
	s14 =	sshll.u32 s31, $0x12;
	s13 =	sadd.s32 s13, s17  }
0x10: {  	[tilespmem:s16+$0x0 ss:$0x81] =	vst.msk $0xffff, v1;
	s14 =	sor.u32 $0x400, s14;
	s13 =	sadd.s32 s18, s13  }
0x11: {  	[hbm4b:s13+s14] =	stream.strided.scatter [tilespmem:s15], [sflag:$0x2], $0x2000, s9, s14, $0x20;
	[tilespmem:$0x8080] =	vst v63  }
.LBB1_5:
0x12: {  	s15 =	sadd.s32 $0x4, s10  }
0x13: {  	s13 =	sadd.s32 $0x400, s11;
	s17 =	smov.u32 s11;
	p2 =	sgt.s32 s15, $0xC7  }
0x14: {  	s17 =	smov.u32 @p2 s13  }
0x15: {  	s15 =	smov.u32 @p2 s7;
	p2 =	sgt.s32 s17, $0x3FF  }
0x16: {  	s17 =	smov.u32 @p2 s3;
	p2 =	sne.s32 s12, s8  }
.Ltmp1:
0x17: {  	p1 =	slt.u32 s12, $0x2;
	(pc) =	sbr.rel @!p2 .LBB1_6-.Ltmp1, $4  }
0x18: {  	s16 =	simm.s32 @!p1 $0x2  }
0x19: {  	s14 =	smov.u32 s11;
	p0 =	por !p0, !p0;
	_ =	swait.ge @!p1 [sflag:s16], $0x2000  }
0x1a: {  	s13 =	smov.u32 s10;
	[sflag:s16] =	ssyncset.done @!p1 $0x0;
	s10 =	smov.u32 s15  }
0x1b: {  	s12 =	sadd.s32 $0x1, s12;
	[sflag:s16] =	ssyncadd.s32 @!p1 $0xFFFFE000;
	s11 =	smov.u32 s17  }
.LBB1_1:
0x1c: {  	p1 =	sge.u32 s12, s5  }
0x1d: {  	s15 =	sand.u32 @!p1 $0x1FFFFFF, s10  }
0x1e: {  	s16 =	smulhi.u32 @!p1 $0x147AE15, s15;
	_ =	sdelay $0x1  }
0x1f: {  	s16 =	smul.u32 @!p1 $0xC8, s16  }
0x20: {  	s17 =	sxor.u32 @!p1 $0xFFFFFFFF, s12;
	s18 =	smul.u32 @!p1 $0xC80, s11  }
0x21: {  	s31 =	sadd.s32 $0xFFFFFFFF, s12;
	s17 =	sshll.u32 @!p1 s17, $0xD;
	s15 =	ssub.s32 @!p1 s15, s16  }
0x22: {  	s16 =	sand.u32 @!p1 $0x2000, s17;
	s17 =	sadd.s32 @!p1 s6, s18;
	s15 =	sshll.u32 @!p1 s15, $0x4  }
0x23: {  	s18 =	simm.s32 @!p1 $0x6400;
	s15 =	sadd.s32 @!p1 s15, s17;
	s17 =	simm.s32 @!p1 $0x40  }
0x24: {  	[tilespmem:s16], [sflag:$0x1] =	stream.strided.gather @!p1 [hbm4b:s15+s17], $0x2000, s18, s17, $0x38;
	[tilespmem:$0x8080] =	vst v63  }
0x25: {  	p1 =	sge.u32 s31, s5  }
.Ltmp2:
0x26: {  	_ = 	snop;
	(pc) =	sbr.rel @p1 .LBB1_5-.Ltmp2, $1  }
0x27: {  	_ =	sdelay $0x3  }
0x28: {  	s15 =	simm.s32 $0x1  }
0x29: {  	_ =	swait.ge [sflag:s4], $0x2000;
	s15 =	simm.s32 @!p0 $0x0  }
0x2a: {  	[sflag:s4] =	ssyncset.done $0x0;
	s16 =	sshll.u32 s15, $0xD  }
0x2b: {  	[sflag:s4] =	ssyncadd.s32 $0xFFFFE000;
	s19 =	sor.u32 $0x20, s16  }
0x2c: {  	s15 =	smul.u32 $0x8100, s15;
	v3 =	vld [tilespmem:s19+$0x10]  }
0x2d: {  	s30 =	sand.u32 $0x1, s12;
	v2 =	vld [tilespmem:s19+$0xFFFFFFF0]  }
0x2e: {  	s16 =	smul.u32 $0x8100, s30;
	s15 =	sshrl.u32 s15, $0x2;
	v0 =	vld [tilespmem:s19+$0x0]  }
0x2f: {  	v1 =	vld [tilespmem:s19+$0xFFFFFFE0];
	s17 =	sor.u32 $0x4000, s15  }
0x30: {  	s31 =	sshrl.u32 s16, $0x2;
	s16 =	sadd.s32 $0x0, s17  }
0x31: {  	s18 =	simm.s32 $0x4;
	s19 =	sadd.s32 $0x40, s19;
	s15 =	sor.u32 $0x4000, s31;
	[tilespmem:s16+$0x1830 ss:$0x81] =	vst.msk $0xffff, v3  }
.LBB1_3:
0x32: {  	v3 =	vld [tilespmem:s19+$0x10];
	p1 =	sne.s32 s18, $0x1FC;
	[tilespmem:s16+$0x810 ss:$0x81] =	vst.msk $0xffff, v2;
	s20 =	smov.u32 s18;
	s18 =	sadd.s32 $0x4, s18  }
.Ltmp3:
0x33: {  	v2 =	vld [tilespmem:s19+$0xFFFFFFF0];
	[tilespmem:s16+$0x1020 ss:$0x81] =	vst.msk $0xffff, v0;
	(pc) =	sbr.rel @p1 .LBB1_3-.Ltmp3, $4  }
0x34: {  	v0 =	vld [tilespmem:s19+$0x0];
	[tilespmem:s16+$0x0 ss:$0x81] =	vst.msk $0xffff, v1  }
0x35: {  	s16 =	sshra.s32 s20, $0x2;
	v1 =	vld [tilespmem:s19+$0xFFFFFFE0]  }
0x36: {  	s16 =	sadd.s32 s16, s17  }
0x37: {  	s19 =	sadd.s32 $0x40, s19;
	[tilespmem:s16+$0x1830 ss:$0x81] =	vst.msk $0xffff, v3  }
.Ltmp4:
0x38: {  	_ = 	snop;
	(pc) =	sbr.rel .LBB1_4-.Ltmp4, $1  }
0x39: {  	_ =	sdelay $0x3  }
.LBB1_6:
0x3a: {  	_ =	sfence.sel $0x180000  }
0x3b: {  	s2 =	simm.s32 $0x1;
	[bflag:$0x0] =	sbarrier.arrive $0xFFFF  }
0x3c: {  	s31 =	simm.s32 $0x2;
	[sflag:s2] =	ssyncpa.u1 $0x1  }
0x3d: {  	[sflag:s31] =	ssyncpa.u1 $0x1  }
0x3e: {  	p0 =	sne.s32 s0, $0x0;
	_ =	strace $0x9000004A  }
0x3f: {  	s0 =	sadd.s32 @!p0 $0x100000, s1;
	[bflag:$0x2] =	sbarrier.arrive $0xFFFF  }
0x40: {  	[sflag:s0] =	ssyncadd.tile.s32 @!p0 $0x1;
	_ =	shalt  }
.Lfunc_end1:
_tile_overlayer_lowered:
.L_overlay_start_2:
0x41: {  	(tag) =	ssettag $0x2  }
0x42: {  	s0 =	rddreg [dreg:$0x0];
	s2 =	stileid.u32  }
0x43: {  	s1 =	rddreg [dreg:$0x1];
	p0 =	sne.s32 s2, $0x0  }
0x44: {  	s3 =	rddreg [dreg:$0x2];
	[bflag:$0x3] =	sbarrier.arrive $0xFFFF;
	s2 =	simm.s32 @!p0 $0x1C01  }
0x45: {  	[timem:s3], [sflag:s2] =	dma.local @!p0 [hbm:s0], s1  }
0x46: {  	s0 =	simm.s32 @!p0 $0x1  }
0x47: {  	_ =	swait.ge @!p0 [sflag:s0], s1  }
0x48: {  	s1 =	ssub.s32 @!p0 $0x0, s1;
	[sflag:s0] =	ssyncset.done @!p0 $0x0  }
0x49: {  	[sflag:s0] =	ssyncadd.s32 @!p0 s1  }
0x4a: {  	[bflag:$0x3] =	sbarrier.arrive $0xFFFF  }
0x4b: {  	_ =	shalt  }

</sc_bundles>
